<compile_context>
chip_gen: v7x
topology: tpu7x:2x2x1
jax: 0.10.2.dev20260603
libtpu: 0.0.44.dev20260713+nightly
codegen_flags: <defaults>
</compile_context>

<pallas_src>
import functools

import jax
import jax.numpy as jnp
from jax import lax
from jax.experimental import pallas as pl
from jax.experimental.pallas import tpu as pltpu
from jax.experimental.pallas import tpu_sc as plsc

NC = 2
NS = 16
NW = NC * NS
LANES = 16
NBUF = 3
SEQ_PER_CHUNK = 4


def kernel(x, token_table, pos_emb):
    B, S = x.shape
    V, D = token_table.shape
    total = B * S
    rows_per_w = total // NW
    chunk = SEQ_PER_CHUNK * S
    n_chunks = rows_per_w // chunk

    xf = x.reshape(total).astype(jnp.int32)

    mesh = plsc.VectorSubcoreMesh(core_axis_name="c", subcore_axis_name="s")

    @functools.partial(
        pl.kernel,
        out_type=jax.ShapeDtypeStruct((total, D), jnp.float32),
        mesh=mesh,
        compiler_params=pltpu.CompilerParams(use_tc_tiling_on_sc=False),
        scratch_types=[
            pltpu.VMEM((rows_per_w,), jnp.int32),
            pltpu.VMEM((NBUF, chunk, D), jnp.float32),
            pltpu.VMEM((S, D), jnp.float32),
            [pltpu.SemaphoreType.DMA] * NBUF,
            [pltpu.SemaphoreType.DMA] * NBUF,
            pltpu.SemaphoreType.DMA,
        ],
    )
    def sc_kernel(x_hbm, tab_hbm, pos_hbm, out_hbm, idx_v, rows_v, pos_v,
                  gsems, ssems, psem):
        wid = lax.axis_index("s") * NC + lax.axis_index("c")
        wbase = wid * rows_per_w
        pos_copy = pltpu.async_copy(pos_hbm, pos_v, psem)
        pltpu.sync_copy(x_hbm.at[pl.ds(wbase, rows_per_w)], idx_v)

        def issue_gather(c, b):
            pltpu.async_copy(
                tab_hbm.at[idx_v.at[pl.ds(c * chunk, chunk)]],
                rows_v.at[b], gsems[b])

        def wait_gather(c, b):
            pltpu.make_async_copy(
                tab_hbm.at[idx_v.at[pl.ds(c * chunk, chunk)]],
                rows_v.at[b], gsems[b]).wait()

        def issue_store(c, b):
            pltpu.async_copy(
                rows_v.at[b], out_hbm.at[pl.ds(wbase + c * chunk, chunk)],
                ssems[b])

        def wait_store(c, b):
            pltpu.make_async_copy(
                rows_v.at[b], out_hbm.at[pl.ds(wbase + c * chunk, chunk)],
                ssems[b]).wait()

        for b in range(NBUF):
            issue_gather(b, b)
        pos_copy.wait()

        def add_pos(b):
            def pos_body(s, carry2):
                p0 = pos_v[s, pl.ds(0, LANES)]
                p1 = pos_v[s, pl.ds(LANES, LANES)]
                for q in range(SEQ_PER_CHUNK):
                    r = q * S + s
                    rows_v[b, r, pl.ds(0, LANES)] += p0
                    rows_v[b, r, pl.ds(LANES, LANES)] += p1
                return carry2

            lax.fori_loop(0, S, pos_body, 0)

        def outer(g, carry):
            for b in range(NBUF):
                c = g + b
                wait_gather(c, b)
                add_pos(b)
                issue_store(c, b)

                @pl.when(c + NBUF < n_chunks)
                def _():
                    wait_store(c, b)
                    issue_gather(c + NBUF, b)
            return carry

        n_main = (n_chunks // NBUF) * NBUF
        lax.fori_loop(0, n_chunks // NBUF, lambda i, cr: outer(i * NBUF, cr), 0)

        for c in range(n_main, n_chunks):
            b = c % NBUF
            wait_gather(c, b)
            add_pos(b)
            issue_store(c, b)

        for b in range(NBUF):
            wait_store(0, b)

    out = sc_kernel(xf, token_table, pos_emb)
    return out.reshape(B, S, D)

# --- scband reference (transcript-rebuilt; emitter-appended) ---
"""Pipeline reference for scband-token-and-position-embedding-10823317586244 (READ-ONLY COPY).

The authoritative reference and input builder live on the scoring server;
editing this copy changes nothing except your own understanding.
"""

import jax, jax.numpy as jnp
import numpy as np

VOCAB_SIZE = 1000000
MAX_LEN = 200
EMBED_DIM = 32
BATCH = 4096
SEQ = 200


def setup_inputs(seed: int = 0) -> dict:
    key = jax.random.key(seed)
    k1, k2, k3 = jax.random.split(key, 3)
    x = jax.random.randint(k1, (BATCH, SEQ), 0, VOCAB_SIZE, dtype=jnp.int64 if jax.config.jax_enable_x64 else jnp.int32)
    token_table = jax.random.normal(k2, (VOCAB_SIZE, EMBED_DIM), dtype=jnp.float32) * 0.02
    pos_emb = jax.random.normal(k3, (MAX_LEN, EMBED_DIM), dtype=jnp.float32) * 0.02
    return {"x": x, "token_table": token_table, "pos_emb": pos_emb}


def reference(x, token_table, pos_emb):
    # token embedding lookup: gather rows of the table
    tok = jnp.take(token_table, x, axis=0)  # [B, S, D]
    seq_len = x.shape[-1]
    # add positional embedding sliced to current sequence length
    return tok + pos_emb[:seq_len]

if __name__ == "__main__":
    import jax
    _d = setup_inputs()
    print(jax.jit(kernel)(*tuple(_d.values())))

</pallas_src>

<mosaic_0001>
#map = affine_map<(d0, d1) -> (0)>
#map1 = affine_map<(d0, d1) -> (0, 0)>
module attributes {stable_mosaic.version = 14 : i64} {
  func.func @sc_kernel(%arg0: i32, %arg1: i32, %arg2: memref<819200xi32, #tpu.memory_space<hbm>>, %arg3: memref<1000000x32xf32, #tpu.memory_space<hbm>>, %arg4: memref<200x32xf32, #tpu.memory_space<hbm>>, %arg5: memref<819200x32xf32, #tpu.memory_space<hbm>>, %arg6: memref<25600xi32, #tpu.memory_space<vmem>>, %arg7: memref<3x800x32xf32, #tpu.memory_space<vmem>>, %arg8: memref<200x32xf32, #tpu.memory_space<vmem>>, %arg9: memref<!tpu.dma_semaphore, #tpu.memory_space<semaphore_mem>>, %arg10: memref<!tpu.dma_semaphore, #tpu.memory_space<semaphore_mem>>, %arg11: memref<!tpu.dma_semaphore, #tpu.memory_space<semaphore_mem>>, %arg12: memref<!tpu.dma_semaphore, #tpu.memory_space<semaphore_mem>>, %arg13: memref<!tpu.dma_semaphore, #tpu.memory_space<semaphore_mem>>, %arg14: memref<!tpu.dma_semaphore, #tpu.memory_space<semaphore_mem>>, %arg15: memref<!tpu.dma_semaphore, #tpu.memory_space<semaphore_mem>>) attributes {dimension_semantics = [#tpu.dimension_semantics<core_parallel>, #tpu.dimension_semantics<subcore_parallel>], iteration_bounds = array<i64: 2, 16>, scalar_prefetch = 0 : i64, scratch_operands = 10 : i64, tpu.core_type = #tpu.core_type<sc_vector_subcore>, window_params = [{transform_indices = #map}, {transform_indices = #map1}, {transform_indices = #map1}, {transform_indices = #map1}]} {
    %mul3A = arith.constant 2 : i32
    %mul3A_0 = arith.muli %arg1, %mul3A : i32
    %add3A = arith.addi %mul3A_0, %arg0 : i32
    %mul3A_1 = arith.constant 25600 : i32
    %mul3A_2 = arith.muli %add3A, %mul3A_1 : i32
    tpu.enqueue_dma source(%arg4 : memref<200x32xf32, #tpu.memory_space<hbm>>) target(%arg8 : memref<200x32xf32, #tpu.memory_space<vmem>>) target_semaphore(%arg15 : memref<!tpu.dma_semaphore, #tpu.memory_space<semaphore_mem>>)
    "tpu.region"() ({
      %run_scoped3A = tpu.sem_alloc : memref<!tpu.dma_semaphore, #tpu.memory_space<semaphore_mem>>
      %dma_start3A_143 = tpu.memref_slice %arg2[%mul3A_2] : memref<819200xi32, #tpu.memory_space<hbm>> -> memref<25600xi32, #tpu.memory_space<hbm>>
      %dma_start3A_144 = tpu.memref_slice %arg2[%mul3A_2] : memref<819200xi32, #tpu.memory_space<hbm>> -> memref<25600xi32, #tpu.memory_space<hbm>>
      tpu.enqueue_dma source(%dma_start3A_144 : memref<25600xi32, #tpu.memory_space<hbm>>) target(%arg6 : memref<25600xi32, #tpu.memory_space<vmem>>) target_semaphore(%run_scoped3A : memref<!tpu.dma_semaphore, #tpu.memory_space<semaphore_mem>>)
      %dma_wait3A_145 = tpu.memref_slice %arg2[%mul3A_2] : memref<819200xi32, #tpu.memory_space<hbm>> -> memref<25600xi32, #tpu.memory_space<hbm>>
      %dma_wait3A_146 = tpu.memref_slice %arg2[%mul3A_2] : memref<819200xi32, #tpu.memory_space<hbm>> -> memref<25600xi32, #tpu.memory_space<hbm>>
      tpu.wait_dma2 semaphore(%run_scoped3A : memref<!tpu.dma_semaphore, #tpu.memory_space<semaphore_mem>>) src(%dma_wait3A_146 : memref<25600xi32, #tpu.memory_space<hbm>>) dst(%arg6 : memref<25600xi32, #tpu.memory_space<vmem>>)
      tpu.yield
    }) : () -> ()
    %dma_start3A = arith.constant 0 : i32
    %dma_start3A_3 = arith.constant 0 : i32
    %dma_start3A_4 = arith.constant 0 : i32
    %dma_start3A_5 = tpu.memref_slice %arg7[%dma_start3A, %dma_start3A_3, %dma_start3A_4] : memref<3x800x32xf32, #tpu.memory_space<vmem>> -> memref<1x800x32xf32, #tpu.memory_space<vmem>>
    %dma_start3A_6 = tpu.memref_squeeze %dma_start3A_5 : memref<1x800x32xf32, #tpu.memory_space<vmem>> -> memref<800x32xf32, #tpu.memory_space<vmem>>
    %dma_start3A_7 = arith.constant 0 : i32
    %dma_start3A_8 = tpu.memref_slice %arg6[%dma_start3A_7] : memref<25600xi32, #tpu.memory_space<vmem>> -> memref<800xi32, #tpu.memory_space<vmem>>
    %dma_start3A_9 = arith.constant 0 : i32
    %dma_start3A_10 = arith.constant 0 : i32
    %dma_start3A_11 = tpu.memref_slice %arg3[%dma_start3A_9, %dma_start3A_10] : memref<1000000x32xf32, #tpu.memory_space<hbm>> -> memref<1000000x32xf32, #tpu.memory_space<hbm>>
    tpu.enqueue_indirect_dma source(%dma_start3A_11 : memref<1000000x32xf32, #tpu.memory_space<hbm>>) target(%dma_start3A_6 : memref<800x32xf32, #tpu.memory_space<vmem>>) offsets(%dma_start3A_8 : memref<800xi32, #tpu.memory_space<vmem>>) semaphore(%arg9 : memref<!tpu.dma_semaphore, #tpu.memory_space<semaphore_mem>>)
    %dma_start3A_12 = arith.constant 1 : i32
    %dma_start3A_13 = arith.constant 0 : i32
    %dma_start3A_14 = arith.constant 0 : i32
    %dma_start3A_15 = tpu.memref_slice %arg7[%dma_start3A_12, %dma_start3A_13, %dma_start3A_14] : memref<3x800x32xf32, #tpu.memory_space<vmem>> -> memref<1x800x32xf32, #tpu.memory_space<vmem>>
    %dma_start3A_16 = tpu.memref_squeeze %dma_start3A_15 : memref<1x800x32xf32, #tpu.memory_space<vmem>> -> memref<800x32xf32, #tpu.memory_space<vmem>>
    %dma_start3A_17 = arith.constant 800 : i32
    %dma_start3A_18 = tpu.memref_slice %arg6[%dma_start3A_17] : memref<25600xi32, #tpu.memory_space<vmem>> -> memref<800xi32, #tpu.memory_space<vmem>>
    %dma_start3A_19 = arith.constant 0 : i32
    %dma_start3A_20 = arith.constant 0 : i32
    %dma_start3A_21 = tpu.memref_slice %arg3[%dma_start3A_19, %dma_start3A_20] : memref<1000000x32xf32, #tpu.memory_space<hbm>> -> memref<1000000x32xf32, #tpu.memory_space<hbm>>
    tpu.enqueue_indirect_dma source(%dma_start3A_21 : memref<1000000x32xf32, #tpu.memory_space<hbm>>) target(%dma_start3A_16 : memref<800x32xf32, #tpu.memory_space<vmem>>) offsets(%dma_start3A_18 : memref<800xi32, #tpu.memory_space<vmem>>) semaphore(%arg10 : memref<!tpu.dma_semaphore, #tpu.memory_space<semaphore_mem>>)
    %dma_start3A_22 = arith.constant 2 : i32
    %dma_start3A_23 = arith.constant 0 : i32
    %dma_start3A_24 = arith.constant 0 : i32
    %dma_start3A_25 = tpu.memref_slice %arg7[%dma_start3A_22, %dma_start3A_23, %dma_start3A_24] : memref<3x800x32xf32, #tpu.memory_space<vmem>> -> memref<1x800x32xf32, #tpu.memory_space<vmem>>
    %dma_start3A_26 = tpu.memref_squeeze %dma_start3A_25 : memref<1x800x32xf32, #tpu.memory_space<vmem>> -> memref<800x32xf32, #tpu.memory_space<vmem>>
    %dma_start3A_27 = arith.constant 1600 : i32
    %dma_start3A_28 = tpu.memref_slice %arg6[%dma_start3A_27] : memref<25600xi32, #tpu.memory_space<vmem>> -> memref<800xi32, #tpu.memory_space<vmem>>
    %dma_start3A_29 = arith.constant 0 : i32
    %dma_start3A_30 = arith.constant 0 : i32
    %dma_start3A_31 = tpu.memref_slice %arg3[%dma_start3A_29, %dma_start3A_30] : memref<1000000x32xf32, #tpu.memory_space<hbm>> -> memref<1000000x32xf32, #tpu.memory_space<hbm>>
    tpu.enqueue_indirect_dma source(%dma_start3A_31 : memref<1000000x32xf32, #tpu.memory_space<hbm>>) target(%dma_start3A_26 : memref<800x32xf32, #tpu.memory_space<vmem>>) offsets(%dma_start3A_28 : memref<800xi32, #tpu.memory_space<vmem>>) semaphore(%arg11 : memref<!tpu.dma_semaphore, #tpu.memory_space<semaphore_mem>>)
    tpu.wait_dma2 semaphore(%arg15 : memref<!tpu.dma_semaphore, #tpu.memory_space<semaphore_mem>>) src(%arg4 : memref<200x32xf32, #tpu.memory_space<hbm>>) dst(%arg8 : memref<200x32xf32, #tpu.memory_space<vmem>>)
    %scan3A = arith.constant 0 : i32
    %scan3A_32 = arith.constant 0 : i32
    %scan3A_33 = arith.constant 10 : i32
    %scan3A_34 = arith.addi %scan3A_32, %scan3A_33 : i32
    %scan3A_35 = arith.constant 1 : i32
    scf.for %scan3A_143 = %scan3A_32 to %scan3A_34 step %scan3A_35  : i32 {
      %mul3A_144 = arith.constant 3 : i32
      %mul3A_145 = arith.muli %scan3A_143, %mul3A_144 : i32
      %add3A_146 = arith.constant 0 : i32
      %add3A_147 = arith.addi %mul3A_145, %add3A_146 : i32
      %mul3A_148 = arith.constant 800 : i32
      %mul3A_149 = arith.muli %add3A_147, %mul3A_148 : i32
      %dma_wait3A_150 = arith.constant 0 : i32
      %dma_wait3A_151 = arith.constant 0 : i32
      %dma_wait3A_152 = arith.constant 0 : i32
      %dma_wait3A_153 = tpu.memref_slice %arg7[%dma_wait3A_150, %dma_wait3A_151, %dma_wait3A_152] : memref<3x800x32xf32, #tpu.memory_space<vmem>> -> memref<1x800x32xf32, #tpu.memory_space<vmem>>
      %dma_wait3A_154 = tpu.memref_squeeze %dma_wait3A_153 : memref<1x800x32xf32, #tpu.memory_space<vmem>> -> memref<800x32xf32, #tpu.memory_space<vmem>>
      %dma_wait3A_155 = tpu.memref_slice %arg6[%mul3A_149] : memref<25600xi32, #tpu.memory_space<vmem>> -> memref<800xi32, #tpu.memory_space<vmem>>
      %dma_wait3A_156 = arith.constant 0 : i32
      %dma_wait3A_157 = arith.constant 0 : i32
      %dma_wait3A_158 = tpu.memref_slice %arg3[%dma_wait3A_156, %dma_wait3A_157] : memref<1000000x32xf32, #tpu.memory_space<hbm>> -> memref<1000000x32xf32, #tpu.memory_space<hbm>>
      tpu.wait_indirect_dma semaphore(%arg9 : memref<!tpu.dma_semaphore, #tpu.memory_space<semaphore_mem>>) src(%dma_wait3A_158 : memref<1000000x32xf32, #tpu.memory_space<hbm>>) dst(%dma_wait3A_154 : memref<800x32xf32, #tpu.memory_space<vmem>>)
      %scan3A_159 = arith.constant 0 : i32
      %scan3A_160 = arith.constant 0 : i32
      %scan3A_161 = arith.constant 200 : i32
      %scan3A_162 = arith.addi %scan3A_160, %scan3A_161 : i32
      %scan3A_163 = arith.constant 1 : i32
      scf.for %scan3A_269 = %scan3A_160 to %scan3A_162 step %scan3A_163  : i32 {
        %get3A = arith.index_cast %scan3A_269 : i32 to index
        %get3A_270 = arith.constant 0 : index
        %get3A_271 = tpu.vector_load %arg8[%get3A, %get3A_270] {strides = array<i32>} : memref<200x32xf32, #tpu.memory_space<vmem>>, vector<1x16xf32>,
        %get3A_272 = vector.shape_cast %get3A_271 : vector<1x16xf32> to vector<16xf32>
        %get3A_273 = arith.index_cast %scan3A_269 : i32 to index
        %get3A_274 = arith.constant 16 : index
        %get3A_275 = tpu.vector_load %arg8[%get3A_273, %get3A_274] {strides = array<i32>} : memref<200x32xf32, #tpu.memory_space<vmem>>, vector<1x16xf32>,
        %get3A_276 = vector.shape_cast %get3A_275 : vector<1x16xf32> to vector<16xf32>
        %add3A_277 = arith.constant 0 : i32
        %add3A_278 = arith.addi %add3A_277, %scan3A_269 : i32
        %get3A_279 = arith.constant 0 : i32
        %get3A_280 = arith.index_cast %get3A_279 : i32 to index
        %get3A_281 = arith.index_cast %add3A_278 : i32 to index
        %get3A_282 = arith.constant 0 : index
        %get3A_283 = tpu.vector_load %arg7[%get3A_280, %get3A_281, %get3A_282] {strides = array<i32>} : memref<3x800x32xf32, #tpu.memory_space<vmem>>, vector<1x1x16xf32>,
        %get3A_284 = vector.shape_cast %get3A_283 : vector<1x1x16xf32> to vector<16xf32>
        %add3A_285 = arith.addf %get3A_284, %get3A_272 : vector<16xf32>
        %swap3A = arith.constant 0 : i32
        %swap3A_286 = arith.index_cast %swap3A : i32 to index
        %swap3A_287 = arith.index_cast %add3A_278 : i32 to index
        %swap3A_288 = arith.constant 0 : index
        %swap3A_289 = tpu.vector_load %arg7[%swap3A_286, %swap3A_287, %swap3A_288] {strides = array<i32>} : memref<3x800x32xf32, #tpu.memory_space<vmem>>, vector<1x1x16xf32>,
        %swap3A_290 = vector.shape_cast %swap3A_289 : vector<1x1x16xf32> to vector<16xf32>
        %swap3A_291 = vector.shape_cast %add3A_285 : vector<16xf32> to vector<1x1x16xf32>
        tpu.vector_store %arg7[%swap3A_286, %swap3A_287, %swap3A_288], %swap3A_291 {strides = array<i32>} : memref<3x800x32xf32, #tpu.memory_space<vmem>>, vector<1x1x16xf32>,
        %get3A_292 = arith.constant 0 : i32
        %get3A_293 = arith.index_cast %get3A_292 : i32 to index
        %get3A_294 = arith.index_cast %add3A_278 : i32 to index
        %get3A_295 = arith.constant 16 : index
        %get3A_296 = tpu.vector_load %arg7[%get3A_293, %get3A_294, %get3A_295] {strides = array<i32>} : memref<3x800x32xf32, #tpu.memory_space<vmem>>, vector<1x1x16xf32>,
        %get3A_297 = vector.shape_cast %get3A_296 : vector<1x1x16xf32> to vector<16xf32>
        %add3A_298 = arith.addf %get3A_297, %get3A_276 : vector<16xf32>
        %swap3A_299 = arith.constant 0 : i32
        %swap3A_300 = arith.index_cast %swap3A_299 : i32 to index
        %swap3A_301 = arith.index_cast %add3A_278 : i32 to index
        %swap3A_302 = arith.constant 16 : index
        %swap3A_303 = tpu.vector_load %arg7[%swap3A_300, %swap3A_301, %swap3A_302] {strides = array<i32>} : memref<3x800x32xf32, #tpu.memory_space<vmem>>, vector<1x1x16xf32>,
        %swap3A_304 = vector.shape_cast %swap3A_303 : vector<1x1x16xf32> to vector<16xf32>
        %swap3A_305 = vector.shape_cast %add3A_298 : vector<16xf32> to vector<1x1x16xf32>
        tpu.vector_store %arg7[%swap3A_300, %swap3A_301, %swap3A_302], %swap3A_305 {strides = array<i32>} : memref<3x800x32xf32, #tpu.memory_space<vmem>>, vector<1x1x16xf32>,
        %add3A_306 = arith.constant 200 : i32
        %add3A_307 = arith.addi %add3A_306, %scan3A_269 : i32
        %get3A_308 = arith.constant 0 : i32
        %get3A_309 = arith.index_cast %get3A_308 : i32 to index
        %get3A_310 = arith.index_cast %add3A_307 : i32 to index
        %get3A_311 = arith.constant 0 : index
        %get3A_312 = tpu.vector_load %arg7[%get3A_309, %get3A_310, %get3A_311] {strides = array<i32>} : memref<3x800x32xf32, #tpu.memory_space<vmem>>, vector<1x1x16xf32>,
        %get3A_313 = vector.shape_cast %get3A_312 : vector<1x1x16xf32> to vector<16xf32>
        %add3A_314 = arith.addf %get3A_313, %get3A_272 : vector<16xf32>
        %swap3A_315 = arith.constant 0 : i32
        %swap3A_316 = arith.index_cast %swap3A_315 : i32 to index
        %swap3A_317 = arith.index_cast %add3A_307 : i32 to index
        %swap3A_318 = arith.constant 0 : index
        %swap3A_319 = tpu.vector_load %arg7[%swap3A_316, %swap3A_317, %swap3A_318] {strides = array<i32>} : memref<3x800x32xf32, #tpu.memory_space<vmem>>, vector<1x1x16xf32>,
        %swap3A_320 = vector.shape_cast %swap3A_319 : vector<1x1x16xf32> to vector<16xf32>
        %swap3A_321 = vector.shape_cast %add3A_314 : vector<16xf32> to vector<1x1x16xf32>
        tpu.vector_store %arg7[%swap3A_316, %swap3A_317, %swap3A_318], %swap3A_321 {strides = array<i32>} : memref<3x800x32xf32, #tpu.memory_space<vmem>>, vector<1x1x16xf32>,
        %get3A_322 = arith.constant 0 : i32
        %get3A_323 = arith.index_cast %get3A_322 : i32 to index
        %get3A_324 = arith.index_cast %add3A_307 : i32 to index
        %get3A_325 = arith.constant 16 : index
        %get3A_326 = tpu.vector_load %arg7[%get3A_323, %get3A_324, %get3A_325] {strides = array<i32>} : memref<3x800x32xf32, #tpu.memory_space<vmem>>, vector<1x1x16xf32>,
        %get3A_327 = vector.shape_cast %get3A_326 : vector<1x1x16xf32> to vector<16xf32>
        %add3A_328 = arith.addf %get3A_327, %get3A_276 : vector<16xf32>
        %swap3A_329 = arith.constant 0 : i32
        %swap3A_330 = arith.index_cast %swap3A_329 : i32 to index
        %swap3A_331 = arith.index_cast %add3A_307 : i32 to index
        %swap3A_332 = arith.constant 16 : index
        %swap3A_333 = tpu.vector_load %arg7[%swap3A_330, %swap3A_331, %swap3A_332] {strides = array<i32>} : memref<3x800x32xf32, #tpu.memory_space<vmem>>, vector<1x1x16xf32>,
        %swap3A_334 = vector.shape_cast %swap3A_333 : vector<1x1x16xf32> to vector<16xf32>
        %swap3A_335 = vector.shape_cast %add3A_328 : vector<16xf32> to vector<1x1x16xf32>
        tpu.vector_store %arg7[%swap3A_330, %swap3A_331, %swap3A_332], %swap3A_335 {strides = array<i32>} : memref<3x800x32xf32, #tpu.memory_space<vmem>>, vector<1x1x16xf32>,
        %add3A_336 = arith.constant 400 : i32
        %add3A_337 = arith.addi %add3A_336, %scan3A_269 : i32
        %get3A_338 = arith.constant 0 : i32
        %get3A_339 = arith.index_cast %get3A_338 : i32 to index
        %get3A_340 = arith.index_cast %add3A_337 : i32 to index
        %get3A_341 = arith.constant 0 : index
        %get3A_342 = tpu.vector_load %arg7[%get3A_339, %get3A_340, %get3A_341] {strides = array<i32>} : memref<3x800x32xf32, #tpu.memory_space<vmem>>, vector<1x1x16xf32>,
        %get3A_343 = vector.shape_cast %get3A_342 : vector<1x1x16xf32> to vector<16xf32>
        %add3A_344 = arith.addf %get3A_343, %get3A_272 : vector<16xf32>
        %swap3A_345 = arith.constant 0 : i32
        %swap3A_346 = arith.index_cast %swap3A_345 : i32 to index
        %swap3A_347 = arith.index_cast %add3A_337 : i32 to index
        %swap3A_348 = arith.constant 0 : index
        %swap3A_349 = tpu.vector_load %arg7[%swap3A_346, %swap3A_347, %swap3A_348] {strides = array<i32>} : memref<3x800x32xf32, #tpu.memory_space<vmem>>, vector<1x1x16xf32>,
        %swap3A_350 = vector.shape_cast %swap3A_349 : vector<1x1x16xf32> to vector<16xf32>
        %swap3A_351 = vector.shape_cast %add3A_344 : vector<16xf32> to vector<1x1x16xf32>
        tpu.vector_store %arg7[%swap3A_346, %swap3A_347, %swap3A_348], %swap3A_351 {strides = array<i32>} : memref<3x800x32xf32, #tpu.memory_space<vmem>>, vector<1x1x16xf32>,
        %get3A_352 = arith.constant 0 : i32
        %get3A_353 = arith.index_cast %get3A_352 : i32 to index
        %get3A_354 = arith.index_cast %add3A_337 : i32 to index
        %get3A_355 = arith.constant 16 : index
        %get3A_356 = tpu.vector_load %arg7[%get3A_353, %get3A_354, %get3A_355] {strides = array<i32>} : memref<3x800x32xf32, #tpu.memory_space<vmem>>, vector<1x1x16xf32>,
        %get3A_357 = vector.shape_cast %get3A_356 : vector<1x1x16xf32> to vector<16xf32>
        %add3A_358 = arith.addf %get3A_357, %get3A_276 : vector<16xf32>
        %swap3A_359 = arith.constant 0 : i32
        %swap3A_360 = arith.index_cast %swap3A_359 : i32 to index
        %swap3A_361 = arith.index_cast %add3A_337 : i32 to index
        %swap3A_362 = arith.constant 16 : index
        %swap3A_363 = tpu.vector_load %arg7[%swap3A_360, %swap3A_361, %swap3A_362] {strides = array<i32>} : memref<3x800x32xf32, #tpu.memory_space<vmem>>, vector<1x1x16xf32>,
        %swap3A_364 = vector.shape_cast %swap3A_363 : vector<1x1x16xf32> to vector<16xf32>
        %swap3A_365 = vector.shape_cast %add3A_358 : vector<16xf32> to vector<1x1x16xf32>
        tpu.vector_store %arg7[%swap3A_360, %swap3A_361, %swap3A_362], %swap3A_365 {strides = array<i32>} : memref<3x800x32xf32, #tpu.memory_space<vmem>>, vector<1x1x16xf32>,
        %add3A_366 = arith.constant 600 : i32
        %add3A_367 = arith.addi %add3A_366, %scan3A_269 : i32
        %get3A_368 = arith.constant 0 : i32
        %get3A_369 = arith.index_cast %get3A_368 : i32 to index
        %get3A_370 = arith.index_cast %add3A_367 : i32 to index
        %get3A_371 = arith.constant 0 : index
        %get3A_372 = tpu.vector_load %arg7[%get3A_369, %get3A_370, %get3A_371] {strides = array<i32>} : memref<3x800x32xf32, #tpu.memory_space<vmem>>, vector<1x1x16xf32>,
        %get3A_373 = vector.shape_cast %get3A_372 : vector<1x1x16xf32> to vector<16xf32>
        %add3A_374 = arith.addf %get3A_373, %get3A_272 : vector<16xf32>
        %swap3A_375 = arith.constant 0 : i32
        %swap3A_376 = arith.index_cast %swap3A_375 : i32 to index
        %swap3A_377 = arith.index_cast %add3A_367 : i32 to index
        %swap3A_378 = arith.constant 0 : index
        %swap3A_379 = tpu.vector_load %arg7[%swap3A_376, %swap3A_377, %swap3A_378] {strides = array<i32>} : memref<3x800x32xf32, #tpu.memory_space<vmem>>, vector<1x1x16xf32>,
        %swap3A_380 = vector.shape_cast %swap3A_379 : vector<1x1x16xf32> to vector<16xf32>
        %swap3A_381 = vector.shape_cast %add3A_374 : vector<16xf32> to vector<1x1x16xf32>
        tpu.vector_store %arg7[%swap3A_376, %swap3A_377, %swap3A_378], %swap3A_381 {strides = array<i32>} : memref<3x800x32xf32, #tpu.memory_space<vmem>>, vector<1x1x16xf32>,
        %get3A_382 = arith.constant 0 : i32
        %get3A_383 = arith.index_cast %get3A_382 : i32 to index
        %get3A_384 = arith.index_cast %add3A_367 : i32 to index
        %get3A_385 = arith.constant 16 : index
        %get3A_386 = tpu.vector_load %arg7[%get3A_383, %get3A_384, %get3A_385] {strides = array<i32>} : memref<3x800x32xf32, #tpu.memory_space<vmem>>, vector<1x1x16xf32>,
        %get3A_387 = vector.shape_cast %get3A_386 : vector<1x1x16xf32> to vector<16xf32>
        %add3A_388 = arith.addf %get3A_387, %get3A_276 : vector<16xf32>
        %swap3A_389 = arith.constant 0 : i32
        %swap3A_390 = arith.index_cast %swap3A_389 : i32 to index
        %swap3A_391 = arith.index_cast %add3A_367 : i32 to index
        %swap3A_392 = arith.constant 16 : index
        %swap3A_393 = tpu.vector_load %arg7[%swap3A_390, %swap3A_391, %swap3A_392] {strides = array<i32>} : memref<3x800x32xf32, #tpu.memory_space<vmem>>, vector<1x1x16xf32>,
        %swap3A_394 = vector.shape_cast %swap3A_393 : vector<1x1x16xf32> to vector<16xf32>
        %swap3A_395 = vector.shape_cast %add3A_388 : vector<16xf32> to vector<1x1x16xf32>
        tpu.vector_store %arg7[%swap3A_390, %swap3A_391, %swap3A_392], %swap3A_395 {strides = array<i32>} : memref<3x800x32xf32, #tpu.memory_space<vmem>>, vector<1x1x16xf32>,
      }
      %scan3A_164 = arith.constant 200 : i32
      %mul3A_165 = arith.constant 800 : i32
      %mul3A_166 = arith.muli %add3A_147, %mul3A_165 : i32
      %add3A_167 = arith.addi %mul3A_2, %mul3A_166 : i32
      %dma_start3A_168 = arith.constant 0 : i32
      %dma_start3A_169 = arith.constant 0 : i32
      %dma_start3A_170 = arith.constant 0 : i32
      %dma_start3A_171 = tpu.memref_slice %arg7[%dma_start3A_168, %dma_start3A_169, %dma_start3A_170] : memref<3x800x32xf32, #tpu.memory_space<vmem>> -> memref<1x800x32xf32, #tpu.memory_space<vmem>>
      %dma_start3A_172 = tpu.memref_squeeze %dma_start3A_171 : memref<1x800x32xf32, #tpu.memory_space<vmem>> -> memref<800x32xf32, #tpu.memory_space<vmem>>
      %dma_start3A_173 = arith.constant 0 : i32
      %dma_start3A_174 = tpu.memref_slice %arg5[%add3A_167, %dma_start3A_173] : memref<819200x32xf32, #tpu.memory_space<hbm>> -> memref<800x32xf32, #tpu.memory_space<hbm>>
      %dma_start3A_175 = arith.constant 0 : i32
      %dma_start3A_176 = tpu.memref_slice %arg5[%add3A_167, %dma_start3A_175] : memref<819200x32xf32, #tpu.memory_space<hbm>> -> memref<800x32xf32, #tpu.memory_space<hbm>>
      %dma_start3A_177 = arith.constant 0 : i32
      %dma_start3A_178 = arith.constant 0 : i32
      %dma_start3A_179 = tpu.memref_slice %arg7[%dma_start3A_168, %dma_start3A_177, %dma_start3A_178] : memref<3x800x32xf32, #tpu.memory_space<vmem>> -> memref<1x800x32xf32, #tpu.memory_space<vmem>>
      %dma_start3A_180 = tpu.memref_squeeze %dma_start3A_179 : memref<1x800x32xf32, #tpu.memory_space<vmem>> -> memref<800x32xf32, #tpu.memory_space<vmem>>
      tpu.enqueue_dma source(%dma_start3A_180 : memref<800x32xf32, #tpu.memory_space<vmem>>) target(%dma_start3A_176 : memref<800x32xf32, #tpu.memory_space<hbm>>) target_semaphore(%arg12 : memref<!tpu.dma_semaphore, #tpu.memory_space<semaphore_mem>>)
      %add3A_181 = arith.constant 3 : i32
      %add3A_182 = arith.addi %add3A_147, %add3A_181 : i32
      %lt3A = arith.constant 32 : i32
      %lt3A_183 = arith.cmpi slt, %add3A_182, %lt3A : i32
      %convert_element_type3A = arith.extui %lt3A_183 : i1 to i32
      %cond3A = arith.constant 0 : i32
      %cond3A_184 = arith.cmpi ne, %convert_element_type3A, %cond3A : i32
      scf.if %cond3A_184 {
        %mul3A_269 = arith.constant 800 : i32
        %mul3A_270 = arith.muli %add3A_147, %mul3A_269 : i32
        %add3A_271 = arith.addi %mul3A_2, %mul3A_270 : i32
        %dma_wait3A_272 = arith.constant 0 : i32
        %dma_wait3A_273 = arith.constant 0 : i32
        %dma_wait3A_274 = arith.constant 0 : i32
        %dma_wait3A_275 = tpu.memref_slice %arg7[%dma_wait3A_272, %dma_wait3A_273, %dma_wait3A_274] : memref<3x800x32xf32, #tpu.memory_space<vmem>> -> memref<1x800x32xf32, #tpu.memory_space<vmem>>
        %dma_wait3A_276 = tpu.memref_squeeze %dma_wait3A_275 : memref<1x800x32xf32, #tpu.memory_space<vmem>> -> memref<800x32xf32, #tpu.memory_space<vmem>>
        %dma_wait3A_277 = arith.constant 0 : i32
        %dma_wait3A_278 = tpu.memref_slice %arg5[%add3A_271, %dma_wait3A_277] : memref<819200x32xf32, #tpu.memory_space<hbm>> -> memref<800x32xf32, #tpu.memory_space<hbm>>
        %dma_wait3A_279 = arith.constant 0 : i32
        %dma_wait3A_280 = tpu.memref_slice %arg5[%add3A_271, %dma_wait3A_279] : memref<819200x32xf32, #tpu.memory_space<hbm>> -> memref<800x32xf32, #tpu.memory_space<hbm>>
        %dma_wait3A_281 = arith.constant 0 : i32
        %dma_wait3A_282 = arith.constant 0 : i32
        %dma_wait3A_283 = tpu.memref_slice %arg7[%dma_wait3A_272, %dma_wait3A_281, %dma_wait3A_282] : memref<3x800x32xf32, #tpu.memory_space<vmem>> -> memref<1x800x32xf32, #tpu.memory_space<vmem>>
        %dma_wait3A_284 = tpu.memref_squeeze %dma_wait3A_283 : memref<1x800x32xf32, #tpu.memory_space<vmem>> -> memref<800x32xf32, #tpu.memory_space<vmem>>
        tpu.wait_dma2 semaphore(%arg12 : memref<!tpu.dma_semaphore, #tpu.memory_space<semaphore_mem>>) src(%dma_wait3A_284 : memref<800x32xf32, #tpu.memory_space<vmem>>) dst(%dma_wait3A_280 : memref<800x32xf32, #tpu.memory_space<hbm>>)
        %add3A_285 = arith.constant 3 : i32
        %add3A_286 = arith.addi %add3A_147, %add3A_285 : i32
        %mul3A_287 = arith.constant 800 : i32
        %mul3A_288 = arith.muli %add3A_286, %mul3A_287 : i32
        %dma_start3A_289 = arith.constant 0 : i32
        %dma_start3A_290 = arith.constant 0 : i32
        %dma_start3A_291 = arith.constant 0 : i32
        %dma_start3A_292 = tpu.memref_slice %arg7[%dma_start3A_289, %dma_start3A_290, %dma_start3A_291] : memref<3x800x32xf32, #tpu.memory_space<vmem>> -> memref<1x800x32xf32, #tpu.memory_space<vmem>>
        %dma_start3A_293 = tpu.memref_squeeze %dma_start3A_292 : memref<1x800x32xf32, #tpu.memory_space<vmem>> -> memref<800x32xf32, #tpu.memory_space<vmem>>
        %dma_start3A_294 = tpu.memref_slice %arg6[%mul3A_288] : memref<25600xi32, #tpu.memory_space<vmem>> -> memref<800xi32, #tpu.memory_space<vmem>>
        %dma_start3A_295 = arith.constant 0 : i32
        %dma_start3A_296 = arith.constant 0 : i32
        %dma_start3A_297 = tpu.memref_slice %arg3[%dma_start3A_295, %dma_start3A_296] : memref<1000000x32xf32, #tpu.memory_space<hbm>> -> memref<1000000x32xf32, #tpu.memory_space<hbm>>
        tpu.enqueue_indirect_dma source(%dma_start3A_297 : memref<1000000x32xf32, #tpu.memory_space<hbm>>) target(%dma_start3A_293 : memref<800x32xf32, #tpu.memory_space<vmem>>) offsets(%dma_start3A_294 : memref<800xi32, #tpu.memory_space<vmem>>) semaphore(%arg9 : memref<!tpu.dma_semaphore, #tpu.memory_space<semaphore_mem>>)
      } else {
      }
      %add3A_185 = arith.constant 1 : i32
      %add3A_186 = arith.addi %mul3A_145, %add3A_185 : i32
      %mul3A_187 = arith.constant 800 : i32
      %mul3A_188 = arith.muli %add3A_186, %mul3A_187 : i32
      %dma_wait3A_189 = arith.constant 1 : i32
      %dma_wait3A_190 = arith.constant 0 : i32
      %dma_wait3A_191 = arith.constant 0 : i32
      %dma_wait3A_192 = tpu.memref_slice %arg7[%dma_wait3A_189, %dma_wait3A_190, %dma_wait3A_191] : memref<3x800x32xf32, #tpu.memory_space<vmem>> -> memref<1x800x32xf32, #tpu.memory_space<vmem>>
      %dma_wait3A_193 = tpu.memref_squeeze %dma_wait3A_192 : memref<1x800x32xf32, #tpu.memory_space<vmem>> -> memref<800x32xf32, #tpu.memory_space<vmem>>
      %dma_wait3A_194 = tpu.memref_slice %arg6[%mul3A_188] : memref<25600xi32, #tpu.memory_space<vmem>> -> memref<800xi32, #tpu.memory_space<vmem>>
      %dma_wait3A_195 = arith.constant 0 : i32
      %dma_wait3A_196 = arith.constant 0 : i32
      %dma_wait3A_197 = tpu.memref_slice %arg3[%dma_wait3A_195, %dma_wait3A_196] : memref<1000000x32xf32, #tpu.memory_space<hbm>> -> memref<1000000x32xf32, #tpu.memory_space<hbm>>
      tpu.wait_indirect_dma semaphore(%arg10 : memref<!tpu.dma_semaphore, #tpu.memory_space<semaphore_mem>>) src(%dma_wait3A_197 : memref<1000000x32xf32, #tpu.memory_space<hbm>>) dst(%dma_wait3A_193 : memref<800x32xf32, #tpu.memory_space<vmem>>)
      %scan3A_198 = arith.constant 0 : i32
      %scan3A_199 = arith.constant 0 : i32
      %scan3A_200 = arith.constant 200 : i32
      %scan3A_201 = arith.addi %scan3A_199, %scan3A_200 : i32
      %scan3A_202 = arith.constant 1 : i32
      scf.for %scan3A_269 = %scan3A_199 to %scan3A_201 step %scan3A_202  : i32 {
        %get3A = arith.index_cast %scan3A_269 : i32 to index
        %get3A_270 = arith.constant 0 : index
        %get3A_271 = tpu.vector_load %arg8[%get3A, %get3A_270] {strides = array<i32>} : memref<200x32xf32, #tpu.memory_space<vmem>>, vector<1x16xf32>,
        %get3A_272 = vector.shape_cast %get3A_271 : vector<1x16xf32> to vector<16xf32>
        %get3A_273 = arith.index_cast %scan3A_269 : i32 to index
        %get3A_274 = arith.constant 16 : index
        %get3A_275 = tpu.vector_load %arg8[%get3A_273, %get3A_274] {strides = array<i32>} : memref<200x32xf32, #tpu.memory_space<vmem>>, vector<1x16xf32>,
        %get3A_276 = vector.shape_cast %get3A_275 : vector<1x16xf32> to vector<16xf32>
        %add3A_277 = arith.constant 0 : i32
        %add3A_278 = arith.addi %add3A_277, %scan3A_269 : i32
        %get3A_279 = arith.constant 1 : i32
        %get3A_280 = arith.index_cast %get3A_279 : i32 to index
        %get3A_281 = arith.index_cast %add3A_278 : i32 to index
        %get3A_282 = arith.constant 0 : index
        %get3A_283 = tpu.vector_load %arg7[%get3A_280, %get3A_281, %get3A_282] {strides = array<i32>} : memref<3x800x32xf32, #tpu.memory_space<vmem>>, vector<1x1x16xf32>,
        %get3A_284 = vector.shape_cast %get3A_283 : vector<1x1x16xf32> to vector<16xf32>
        %add3A_285 = arith.addf %get3A_284, %get3A_272 : vector<16xf32>
        %swap3A = arith.constant 1 : i32
        %swap3A_286 = arith.index_cast %swap3A : i32 to index
        %swap3A_287 = arith.index_cast %add3A_278 : i32 to index
        %swap3A_288 = arith.constant 0 : index
        %swap3A_289 = tpu.vector_load %arg7[%swap3A_286, %swap3A_287, %swap3A_288] {strides = array<i32>} : memref<3x800x32xf32, #tpu.memory_space<vmem>>, vector<1x1x16xf32>,
        %swap3A_290 = vector.shape_cast %swap3A_289 : vector<1x1x16xf32> to vector<16xf32>
        %swap3A_291 = vector.shape_cast %add3A_285 : vector<16xf32> to vector<1x1x16xf32>
        tpu.vector_store %arg7[%swap3A_286, %swap3A_287, %swap3A_288], %swap3A_291 {strides = array<i32>} : memref<3x800x32xf32, #tpu.memory_space<vmem>>, vector<1x1x16xf32>,
        %get3A_292 = arith.constant 1 : i32
        %get3A_293 = arith.index_cast %get3A_292 : i32 to index
        %get3A_294 = arith.index_cast %add3A_278 : i32 to index
        %get3A_295 = arith.constant 16 : index
        %get3A_296 = tpu.vector_load %arg7[%get3A_293, %get3A_294, %get3A_295] {strides = array<i32>} : memref<3x800x32xf32, #tpu.memory_space<vmem>>, vector<1x1x16xf32>,
        %get3A_297 = vector.shape_cast %get3A_296 : vector<1x1x16xf32> to vector<16xf32>
        %add3A_298 = arith.addf %get3A_297, %get3A_276 : vector<16xf32>
        %swap3A_299 = arith.constant 1 : i32
        %swap3A_300 = arith.index_cast %swap3A_299 : i32 to index
        %swap3A_301 = arith.index_cast %add3A_278 : i32 to index
        %swap3A_302 = arith.constant 16 : index
        %swap3A_303 = tpu.vector_load %arg7[%swap3A_300, %swap3A_301, %swap3A_302] {strides = array<i32>} : memref<3x800x32xf32, #tpu.memory_space<vmem>>, vector<1x1x16xf32>,
        %swap3A_304 = vector.shape_cast %swap3A_303 : vector<1x1x16xf32> to vector<16xf32>
        %swap3A_305 = vector.shape_cast %add3A_298 : vector<16xf32> to vector<1x1x16xf32>
        tpu.vector_store %arg7[%swap3A_300, %swap3A_301, %swap3A_302], %swap3A_305 {strides = array<i32>} : memref<3x800x32xf32, #tpu.memory_space<vmem>>, vector<1x1x16xf32>,
        %add3A_306 = arith.constant 200 : i32
        %add3A_307 = arith.addi %add3A_306, %scan3A_269 : i32
        %get3A_308 = arith.constant 1 : i32
        %get3A_309 = arith.index_cast %get3A_308 : i32 to index
        %get3A_310 = arith.index_cast %add3A_307 : i32 to index
        %get3A_311 = arith.constant 0 : index
        %get3A_312 = tpu.vector_load %arg7[%get3A_309, %get3A_310, %get3A_311] {strides = array<i32>} : memref<3x800x32xf32, #tpu.memory_space<vmem>>, vector<1x1x16xf32>,
        %get3A_313 = vector.shape_cast %get3A_312 : vector<1x1x16xf32> to vector<16xf32>
        %add3A_314 = arith.addf %get3A_313, %get3A_272 : vector<16xf32>
        %swap3A_315 = arith.constant 1 : i32
        %swap3A_316 = arith.index_cast %swap3A_315 : i32 to index
        %swap3A_317 = arith.index_cast %add3A_307 : i32 to index
        %swap3A_318 = arith.constant 0 : index
        %swap3A_319 = tpu.vector_load %arg7[%swap3A_316, %swap3A_317, %swap3A_318] {strides = array<i32>} : memref<3x800x32xf32, #tpu.memory_space<vmem>>, vector<1x1x16xf32>,
        %swap3A_320 = vector.shape_cast %swap3A_319 : vector<1x1x16xf32> to vector<16xf32>
        %swap3A_321 = vector.shape_cast %add3A_314 : vector<16xf32> to vector<1x1x16xf32>
        tpu.vector_store %arg7[%swap3A_316, %swap3A_317, %swap3A_318], %swap3A_321 {strides = array<i32>} : memref<3x800x32xf32, #tpu.memory_space<vmem>>, vector<1x1x16xf32>,
        %get3A_322 = arith.constant 1 : i32
        %get3A_323 = arith.index_cast %get3A_322 : i32 to index
        %get3A_324 = arith.index_cast %add3A_307 : i32 to index
        %get3A_325 = arith.constant 16 : index
        %get3A_326 = tpu.vector_load %arg7[%get3A_323, %get3A_324, %get3A_325] {strides = array<i32>} : memref<3x800x32xf32, #tpu.memory_space<vmem>>, vector<1x1x16xf32>,
        %get3A_327 = vector.shape_cast %get3A_326 : vector<1x1x16xf32> to vector<16xf32>
        %add3A_328 = arith.addf %get3A_327, %get3A_276 : vector<16xf32>
        %swap3A_329 = arith.constant 1 : i32
        %swap3A_330 = arith.index_cast %swap3A_329 : i32 to index
        %swap3A_331 = arith.index_cast %add3A_307 : i32 to index
        %swap3A_332 = arith.constant 16 : index
        %swap3A_333 = tpu.vector_load %arg7[%swap3A_330, %swap3A_331, %swap3A_332] {strides = array<i32>} : memref<3x800x32xf32, #tpu.memory_space<vmem>>, vector<1x1x16xf32>,
        %swap3A_334 = vector.shape_cast %swap3A_333 : vector<1x1x16xf32> to vector<16xf32>
        %swap3A_335 = vector.shape_cast %add3A_328 : vector<16xf32> to vector<1x1x16xf32>
        tpu.vector_store %arg7[%swap3A_330, %swap3A_331, %swap3A_332], %swap3A_335 {strides = array<i32>} : memref<3x800x32xf32, #tpu.memory_space<vmem>>, vector<1x1x16xf32>,
        %add3A_336 = arith.constant 400 : i32
        %add3A_337 = arith.addi %add3A_336, %scan3A_269 : i32
        %get3A_338 = arith.constant 1 : i32
        %get3A_339 = arith.index_cast %get3A_338 : i32 to index
        %get3A_340 = arith.index_cast %add3A_337 : i32 to index
        %get3A_341 = arith.constant 0 : index
        %get3A_342 = tpu.vector_load %arg7[%get3A_339, %get3A_340, %get3A_341] {strides = array<i32>} : memref<3x800x32xf32, #tpu.memory_space<vmem>>, vector<1x1x16xf32>,
        %get3A_343 = vector.shape_cast %get3A_342 : vector<1x1x16xf32> to vector<16xf32>
        %add3A_344 = arith.addf %get3A_343, %get3A_272 : vector<16xf32>
        %swap3A_345 = arith.constant 1 : i32
        %swap3A_346 = arith.index_cast %swap3A_345 : i32 to index
        %swap3A_347 = arith.index_cast %add3A_337 : i32 to index
        %swap3A_348 = arith.constant 0 : index
        %swap3A_349 = tpu.vector_load %arg7[%swap3A_346, %swap3A_347, %swap3A_348] {strides = array<i32>} : memref<3x800x32xf32, #tpu.memory_space<vmem>>, vector<1x1x16xf32>,
        %swap3A_350 = vector.shape_cast %swap3A_349 : vector<1x1x16xf32> to vector<16xf32>
        %swap3A_351 = vector.shape_cast %add3A_344 : vector<16xf32> to vector<1x1x16xf32>
        tpu.vector_store %arg7[%swap3A_346, %swap3A_347, %swap3A_348], %swap3A_351 {strides = array<i32>} : memref<3x800x32xf32, #tpu.memory_space<vmem>>, vector<1x1x16xf32>,
        %get3A_352 = arith.constant 1 : i32
        %get3A_353 = arith.index_cast %get3A_352 : i32 to index
        %get3A_354 = arith.index_cast %add3A_337 : i32 to index
        %get3A_355 = arith.constant 16 : index
        %get3A_356 = tpu.vector_load %arg7[%get3A_353, %get3A_354, %get3A_355] {strides = array<i32>} : memref<3x800x32xf32, #tpu.memory_space<vmem>>, vector<1x1x16xf32>,
        %get3A_357 = vector.shape_cast %get3A_356 : vector<1x1x16xf32> to vector<16xf32>
        %add3A_358 = arith.addf %get3A_357, %get3A_276 : vector<16xf32>
        %swap3A_359 = arith.constant 1 : i32
        %swap3A_360 = arith.index_cast %swap3A_359 : i32 to index
        %swap3A_361 = arith.index_cast %add3A_337 : i32 to index
        %swap3A_362 = arith.constant 16 : index
        %swap3A_363 = tpu.vector_load %arg7[%swap3A_360, %swap3A_361, %swap3A_362] {strides = array<i32>} : memref<3x800x32xf32, #tpu.memory_space<vmem>>, vector<1x1x16xf32>,
        %swap3A_364 = vector.shape_cast %swap3A_363 : vector<1x1x16xf32> to vector<16xf32>
        %swap3A_365 = vector.shape_cast %add3A_358 : vector<16xf32> to vector<1x1x16xf32>
        tpu.vector_store %arg7[%swap3A_360, %swap3A_361, %swap3A_362], %swap3A_365 {strides = array<i32>} : memref<3x800x32xf32, #tpu.memory_space<vmem>>, vector<1x1x16xf32>,
        %add3A_366 = arith.constant 600 : i32
        %add3A_367 = arith.addi %add3A_366, %scan3A_269 : i32
        %get3A_368 = arith.constant 1 : i32
        %get3A_369 = arith.index_cast %get3A_368 : i32 to index
        %get3A_370 = arith.index_cast %add3A_367 : i32 to index
        %get3A_371 = arith.constant 0 : index
        %get3A_372 = tpu.vector_load %arg7[%get3A_369, %get3A_370, %get3A_371] {strides = array<i32>} : memref<3x800x32xf32, #tpu.memory_space<vmem>>, vector<1x1x16xf32>,
        %get3A_373 = vector.shape_cast %get3A_372 : vector<1x1x16xf32> to vector<16xf32>
        %add3A_374 = arith.addf %get3A_373, %get3A_272 : vector<16xf32>
        %swap3A_375 = arith.constant 1 : i32
        %swap3A_376 = arith.index_cast %swap3A_375 : i32 to index
        %swap3A_377 = arith.index_cast %add3A_367 : i32 to index
        %swap3A_378 = arith.constant 0 : index
        %swap3A_379 = tpu.vector_load %arg7[%swap3A_376, %swap3A_377, %swap3A_378] {strides = array<i32>} : memref<3x800x32xf32, #tpu.memory_space<vmem>>, vector<1x1x16xf32>,
        %swap3A_380 = vector.shape_cast %swap3A_379 : vector<1x1x16xf32> to vector<16xf32>
        %swap3A_381 = vector.shape_cast %add3A_374 : vector<16xf32> to vector<1x1x16xf32>
        tpu.vector_store %arg7[%swap3A_376, %swap3A_377, %swap3A_378], %swap3A_381 {strides = array<i32>} : memref<3x800x32xf32, #tpu.memory_space<vmem>>, vector<1x1x16xf32>,
        %get3A_382 = arith.constant 1 : i32
        %get3A_383 = arith.index_cast %get3A_382 : i32 to index
        %get3A_384 = arith.index_cast %add3A_367 : i32 to index
        %get3A_385 = arith.constant 16 : index
        %get3A_386 = tpu.vector_load %arg7[%get3A_383, %get3A_384, %get3A_385] {strides = array<i32>} : memref<3x800x32xf32, #tpu.memory_space<vmem>>, vector<1x1x16xf32>,
        %get3A_387 = vector.shape_cast %get3A_386 : vector<1x1x16xf32> to vector<16xf32>
        %add3A_388 = arith.addf %get3A_387, %get3A_276 : vector<16xf32>
        %swap3A_389 = arith.constant 1 : i32
        %swap3A_390 = arith.index_cast %swap3A_389 : i32 to index
        %swap3A_391 = arith.index_cast %add3A_367 : i32 to index
        %swap3A_392 = arith.constant 16 : index
        %swap3A_393 = tpu.vector_load %arg7[%swap3A_390, %swap3A_391, %swap3A_392] {strides = array<i32>} : memref<3x800x32xf32, #tpu.memory_space<vmem>>, vector<1x1x16xf32>,
        %swap3A_394 = vector.shape_cast %swap3A_393 : vector<1x1x16xf32> to vector<16xf32>
        %swap3A_395 = vector.shape_cast %add3A_388 : vector<16xf32> to vector<1x1x16xf32>
        tpu.vector_store %arg7[%swap3A_390, %swap3A_391, %swap3A_392], %swap3A_395 {strides = array<i32>} : memref<3x800x32xf32, #tpu.memory_space<vmem>>, vector<1x1x16xf32>,
      }
      %scan3A_203 = arith.constant 200 : i32
      %mul3A_204 = arith.constant 800 : i32
      %mul3A_205 = arith.muli %add3A_186, %mul3A_204 : i32
      %add3A_206 = arith.addi %mul3A_2, %mul3A_205 : i32
      %dma_start3A_207 = arith.constant 1 : i32
      %dma_start3A_208 = arith.constant 0 : i32
      %dma_start3A_209 = arith.constant 0 : i32
      %dma_start3A_210 = tpu.memref_slice %arg7[%dma_start3A_207, %dma_start3A_208, %dma_start3A_209] : memref<3x800x32xf32, #tpu.memory_space<vmem>> -> memref<1x800x32xf32, #tpu.memory_space<vmem>>
      %dma_start3A_211 = tpu.memref_squeeze %dma_start3A_210 : memref<1x800x32xf32, #tpu.memory_space<vmem>> -> memref<800x32xf32, #tpu.memory_space<vmem>>
      %dma_start3A_212 = arith.constant 0 : i32
      %dma_start3A_213 = tpu.memref_slice %arg5[%add3A_206, %dma_start3A_212] : memref<819200x32xf32, #tpu.memory_space<hbm>> -> memref<800x32xf32, #tpu.memory_space<hbm>>
      %dma_start3A_214 = arith.constant 0 : i32
      %dma_start3A_215 = tpu.memref_slice %arg5[%add3A_206, %dma_start3A_214] : memref<819200x32xf32, #tpu.memory_space<hbm>> -> memref<800x32xf32, #tpu.memory_space<hbm>>
      %dma_start3A_216 = arith.constant 0 : i32
      %dma_start3A_217 = arith.constant 0 : i32
      %dma_start3A_218 = tpu.memref_slice %arg7[%dma_start3A_207, %dma_start3A_216, %dma_start3A_217] : memref<3x800x32xf32, #tpu.memory_space<vmem>> -> memref<1x800x32xf32, #tpu.memory_space<vmem>>
      %dma_start3A_219 = tpu.memref_squeeze %dma_start3A_218 : memref<1x800x32xf32, #tpu.memory_space<vmem>> -> memref<800x32xf32, #tpu.memory_space<vmem>>
      tpu.enqueue_dma source(%dma_start3A_219 : memref<800x32xf32, #tpu.memory_space<vmem>>) target(%dma_start3A_215 : memref<800x32xf32, #tpu.memory_space<hbm>>) target_semaphore(%arg13 : memref<!tpu.dma_semaphore, #tpu.memory_space<semaphore_mem>>)
      %add3A_220 = arith.constant 3 : i32
      %add3A_221 = arith.addi %add3A_186, %add3A_220 : i32
      %lt3A_222 = arith.constant 32 : i32
      %lt3A_223 = arith.cmpi slt, %add3A_221, %lt3A_222 : i32
      %convert_element_type3A_224 = arith.extui %lt3A_223 : i1 to i32
      %cond3A_225 = arith.constant 0 : i32
      %cond3A_226 = arith.cmpi ne, %convert_element_type3A_224, %cond3A_225 : i32
      scf.if %cond3A_226 {
        %mul3A_269 = arith.constant 800 : i32
        %mul3A_270 = arith.muli %add3A_186, %mul3A_269 : i32
        %add3A_271 = arith.addi %mul3A_2, %mul3A_270 : i32
        %dma_wait3A_272 = arith.constant 1 : i32
        %dma_wait3A_273 = arith.constant 0 : i32
        %dma_wait3A_274 = arith.constant 0 : i32
        %dma_wait3A_275 = tpu.memref_slice %arg7[%dma_wait3A_272, %dma_wait3A_273, %dma_wait3A_274] : memref<3x800x32xf32, #tpu.memory_space<vmem>> -> memref<1x800x32xf32, #tpu.memory_space<vmem>>
        %dma_wait3A_276 = tpu.memref_squeeze %dma_wait3A_275 : memref<1x800x32xf32, #tpu.memory_space<vmem>> -> memref<800x32xf32, #tpu.memory_space<vmem>>
        %dma_wait3A_277 = arith.constant 0 : i32
        %dma_wait3A_278 = tpu.memref_slice %arg5[%add3A_271, %dma_wait3A_277] : memref<819200x32xf32, #tpu.memory_space<hbm>> -> memref<800x32xf32, #tpu.memory_space<hbm>>
        %dma_wait3A_279 = arith.constant 0 : i32
        %dma_wait3A_280 = tpu.memref_slice %arg5[%add3A_271, %dma_wait3A_279] : memref<819200x32xf32, #tpu.memory_space<hbm>> -> memref<800x32xf32, #tpu.memory_space<hbm>>
        %dma_wait3A_281 = arith.constant 0 : i32
        %dma_wait3A_282 = arith.constant 0 : i32
        %dma_wait3A_283 = tpu.memref_slice %arg7[%dma_wait3A_272, %dma_wait3A_281, %dma_wait3A_282] : memref<3x800x32xf32, #tpu.memory_space<vmem>> -> memref<1x800x32xf32, #tpu.memory_space<vmem>>
        %dma_wait3A_284 = tpu.memref_squeeze %dma_wait3A_283 : memref<1x800x32xf32, #tpu.memory_space<vmem>> -> memref<800x32xf32, #tpu.memory_space<vmem>>
        tpu.wait_dma2 semaphore(%arg13 : memref<!tpu.dma_semaphore, #tpu.memory_space<semaphore_mem>>) src(%dma_wait3A_284 : memref<800x32xf32, #tpu.memory_space<vmem>>) dst(%dma_wait3A_280 : memref<800x32xf32, #tpu.memory_space<hbm>>)
        %add3A_285 = arith.constant 3 : i32
        %add3A_286 = arith.addi %add3A_186, %add3A_285 : i32
        %mul3A_287 = arith.constant 800 : i32
        %mul3A_288 = arith.muli %add3A_286, %mul3A_287 : i32
        %dma_start3A_289 = arith.constant 1 : i32
        %dma_start3A_290 = arith.constant 0 : i32
        %dma_start3A_291 = arith.constant 0 : i32
        %dma_start3A_292 = tpu.memref_slice %arg7[%dma_start3A_289, %dma_start3A_290, %dma_start3A_291] : memref<3x800x32xf32, #tpu.memory_space<vmem>> -> memref<1x800x32xf32, #tpu.memory_space<vmem>>
        %dma_start3A_293 = tpu.memref_squeeze %dma_start3A_292 : memref<1x800x32xf32, #tpu.memory_space<vmem>> -> memref<800x32xf32, #tpu.memory_space<vmem>>
        %dma_start3A_294 = tpu.memref_slice %arg6[%mul3A_288] : memref<25600xi32, #tpu.memory_space<vmem>> -> memref<800xi32, #tpu.memory_space<vmem>>
        %dma_start3A_295 = arith.constant 0 : i32
        %dma_start3A_296 = arith.constant 0 : i32
        %dma_start3A_297 = tpu.memref_slice %arg3[%dma_start3A_295, %dma_start3A_296] : memref<1000000x32xf32, #tpu.memory_space<hbm>> -> memref<1000000x32xf32, #tpu.memory_space<hbm>>
        tpu.enqueue_indirect_dma source(%dma_start3A_297 : memref<1000000x32xf32, #tpu.memory_space<hbm>>) target(%dma_start3A_293 : memref<800x32xf32, #tpu.memory_space<vmem>>) offsets(%dma_start3A_294 : memref<800xi32, #tpu.memory_space<vmem>>) semaphore(%arg10 : memref<!tpu.dma_semaphore, #tpu.memory_space<semaphore_mem>>)
      } else {
      }
      %add3A_227 = arith.constant 2 : i32
      %add3A_228 = arith.addi %mul3A_145, %add3A_227 : i32
      %mul3A_229 = arith.constant 800 : i32
      %mul3A_230 = arith.muli %add3A_228, %mul3A_229 : i32
      %dma_wait3A_231 = arith.constant 2 : i32
      %dma_wait3A_232 = arith.constant 0 : i32
      %dma_wait3A_233 = arith.constant 0 : i32
      %dma_wait3A_234 = tpu.memref_slice %arg7[%dma_wait3A_231, %dma_wait3A_232, %dma_wait3A_233] : memref<3x800x32xf32, #tpu.memory_space<vmem>> -> memref<1x800x32xf32, #tpu.memory_space<vmem>>
      %dma_wait3A_235 = tpu.memref_squeeze %dma_wait3A_234 : memref<1x800x32xf32, #tpu.memory_space<vmem>> -> memref<800x32xf32, #tpu.memory_space<vmem>>
      %dma_wait3A_236 = tpu.memref_slice %arg6[%mul3A_230] : memref<25600xi32, #tpu.memory_space<vmem>> -> memref<800xi32, #tpu.memory_space<vmem>>
      %dma_wait3A_237 = arith.constant 0 : i32
      %dma_wait3A_238 = arith.constant 0 : i32
      %dma_wait3A_239 = tpu.memref_slice %arg3[%dma_wait3A_237, %dma_wait3A_238] : memref<1000000x32xf32, #tpu.memory_space<hbm>> -> memref<1000000x32xf32, #tpu.memory_space<hbm>>
      tpu.wait_indirect_dma semaphore(%arg11 : memref<!tpu.dma_semaphore, #tpu.memory_space<semaphore_mem>>) src(%dma_wait3A_239 : memref<1000000x32xf32, #tpu.memory_space<hbm>>) dst(%dma_wait3A_235 : memref<800x32xf32, #tpu.memory_space<vmem>>)
      %scan3A_240 = arith.constant 0 : i32
      %scan3A_241 = arith.constant 0 : i32
      %scan3A_242 = arith.constant 200 : i32
      %scan3A_243 = arith.addi %scan3A_241, %scan3A_242 : i32
      %scan3A_244 = arith.constant 1 : i32
      scf.for %scan3A_269 = %scan3A_241 to %scan3A_243 step %scan3A_244  : i32 {
        %get3A = arith.index_cast %scan3A_269 : i32 to index
        %get3A_270 = arith.constant 0 : index
        %get3A_271 = tpu.vector_load %arg8[%get3A, %get3A_270] {strides = array<i32>} : memref<200x32xf32, #tpu.memory_space<vmem>>, vector<1x16xf32>,
        %get3A_272 = vector.shape_cast %get3A_271 : vector<1x16xf32> to vector<16xf32>
        %get3A_273 = arith.index_cast %scan3A_269 : i32 to index
        %get3A_274 = arith.constant 16 : index
        %get3A_275 = tpu.vector_load %arg8[%get3A_273, %get3A_274] {strides = array<i32>} : memref<200x32xf32, #tpu.memory_space<vmem>>, vector<1x16xf32>,
        %get3A_276 = vector.shape_cast %get3A_275 : vector<1x16xf32> to vector<16xf32>
        %add3A_277 = arith.constant 0 : i32
        %add3A_278 = arith.addi %add3A_277, %scan3A_269 : i32
        %get3A_279 = arith.constant 2 : i32
        %get3A_280 = arith.index_cast %get3A_279 : i32 to index
        %get3A_281 = arith.index_cast %add3A_278 : i32 to index
        %get3A_282 = arith.constant 0 : index
        %get3A_283 = tpu.vector_load %arg7[%get3A_280, %get3A_281, %get3A_282] {strides = array<i32>} : memref<3x800x32xf32, #tpu.memory_space<vmem>>, vector<1x1x16xf32>,
        %get3A_284 = vector.shape_cast %get3A_283 : vector<1x1x16xf32> to vector<16xf32>
        %add3A_285 = arith.addf %get3A_284, %get3A_272 : vector<16xf32>
        %swap3A = arith.constant 2 : i32
        %swap3A_286 = arith.index_cast %swap3A : i32 to index
        %swap3A_287 = arith.index_cast %add3A_278 : i32 to index
        %swap3A_288 = arith.constant 0 : index
        %swap3A_289 = tpu.vector_load %arg7[%swap3A_286, %swap3A_287, %swap3A_288] {strides = array<i32>} : memref<3x800x32xf32, #tpu.memory_space<vmem>>, vector<1x1x16xf32>,
        %swap3A_290 = vector.shape_cast %swap3A_289 : vector<1x1x16xf32> to vector<16xf32>
        %swap3A_291 = vector.shape_cast %add3A_285 : vector<16xf32> to vector<1x1x16xf32>
        tpu.vector_store %arg7[%swap3A_286, %swap3A_287, %swap3A_288], %swap3A_291 {strides = array<i32>} : memref<3x800x32xf32, #tpu.memory_space<vmem>>, vector<1x1x16xf32>,
        %get3A_292 = arith.constant 2 : i32
        %get3A_293 = arith.index_cast %get3A_292 : i32 to index
        %get3A_294 = arith.index_cast %add3A_278 : i32 to index
        %get3A_295 = arith.constant 16 : index
        %get3A_296 = tpu.vector_load %arg7[%get3A_293, %get3A_294, %get3A_295] {strides = array<i32>} : memref<3x800x32xf32, #tpu.memory_space<vmem>>, vector<1x1x16xf32>,
        %get3A_297 = vector.shape_cast %get3A_296 : vector<1x1x16xf32> to vector<16xf32>
        %add3A_298 = arith.addf %get3A_297, %get3A_276 : vector<16xf32>
        %swap3A_299 = arith.constant 2 : i32
        %swap3A_300 = arith.index_cast %swap3A_299 : i32 to index
        %swap3A_301 = arith.index_cast %add3A_278 : i32 to index
        %swap3A_302 = arith.constant 16 : index
        %swap3A_303 = tpu.vector_load %arg7[%swap3A_300, %swap3A_301, %swap3A_302] {strides = array<i32>} : memref<3x800x32xf32, #tpu.memory_space<vmem>>, vector<1x1x16xf32>,
        %swap3A_304 = vector.shape_cast %swap3A_303 : vector<1x1x16xf32> to vector<16xf32>
        %swap3A_305 = vector.shape_cast %add3A_298 : vector<16xf32> to vector<1x1x16xf32>
        tpu.vector_store %arg7[%swap3A_300, %swap3A_301, %swap3A_302], %swap3A_305 {strides = array<i32>} : memref<3x800x32xf32, #tpu.memory_space<vmem>>, vector<1x1x16xf32>,
        %add3A_306 = arith.constant 200 : i32
        %add3A_307 = arith.addi %add3A_306, %scan3A_269 : i32
        %get3A_308 = arith.constant 2 : i32
        %get3A_309 = arith.index_cast %get3A_308 : i32 to index
        %get3A_310 = arith.index_cast %add3A_307 : i32 to index
        %get3A_311 = arith.constant 0 : index
        %get3A_312 = tpu.vector_load %arg7[%get3A_309, %get3A_310, %get3A_311] {strides = array<i32>} : memref<3x800x32xf32, #tpu.memory_space<vmem>>, vector<1x1x16xf32>,
        %get3A_313 = vector.shape_cast %get3A_312 : vector<1x1x16xf32> to vector<16xf32>
        %add3A_314 = arith.addf %get3A_313, %get3A_272 : vector<16xf32>
        %swap3A_315 = arith.constant 2 : i32
        %swap3A_316 = arith.index_cast %swap3A_315 : i32 to index
        %swap3A_317 = arith.index_cast %add3A_307 : i32 to index
        %swap3A_318 = arith.constant 0 : index
        %swap3A_319 = tpu.vector_load %arg7[%swap3A_316, %swap3A_317, %swap3A_318] {strides = array<i32>} : memref<3x800x32xf32, #tpu.memory_space<vmem>>, vector<1x1x16xf32>,
        %swap3A_320 = vector.shape_cast %swap3A_319 : vector<1x1x16xf32> to vector<16xf32>
        %swap3A_321 = vector.shape_cast %add3A_314 : vector<16xf32> to vector<1x1x16xf32>
        tpu.vector_store %arg7[%swap3A_316, %swap3A_317, %swap3A_318], %swap3A_321 {strides = array<i32>} : memref<3x800x32xf32, #tpu.memory_space<vmem>>, vector<1x1x16xf32>,
        %get3A_322 = arith.constant 2 : i32
        %get3A_323 = arith.index_cast %get3A_322 : i32 to index
        %get3A_324 = arith.index_cast %add3A_307 : i32 to index
        %get3A_325 = arith.constant 16 : index
        %get3A_326 = tpu.vector_load %arg7[%get3A_323, %get3A_324, %get3A_325] {strides = array<i32>} : memref<3x800x32xf32, #tpu.memory_space<vmem>>, vector<1x1x16xf32>,
        %get3A_327 = vector.shape_cast %get3A_326 : vector<1x1x16xf32> to vector<16xf32>
        %add3A_328 = arith.addf %get3A_327, %get3A_276 : vector<16xf32>
        %swap3A_329 = arith.constant 2 : i32
        %swap3A_330 = arith.index_cast %swap3A_329 : i32 to index
        %swap3A_331 = arith.index_cast %add3A_307 : i32 to index
        %swap3A_332 = arith.constant 16 : index
        %swap3A_333 = tpu.vector_load %arg7[%swap3A_330, %swap3A_331, %swap3A_332] {strides = array<i32>} : memref<3x800x32xf32, #tpu.memory_space<vmem>>, vector<1x1x16xf32>,
        %swap3A_334 = vector.shape_cast %swap3A_333 : vector<1x1x16xf32> to vector<16xf32>
        %swap3A_335 = vector.shape_cast %add3A_328 : vector<16xf32> to vector<1x1x16xf32>
        tpu.vector_store %arg7[%swap3A_330, %swap3A_331, %swap3A_332], %swap3A_335 {strides = array<i32>} : memref<3x800x32xf32, #tpu.memory_space<vmem>>, vector<1x1x16xf32>,
        %add3A_336 = arith.constant 400 : i32
        %add3A_337 = arith.addi %add3A_336, %scan3A_269 : i32
        %get3A_338 = arith.constant 2 : i32
        %get3A_339 = arith.index_cast %get3A_338 : i32 to index
        %get3A_340 = arith.index_cast %add3A_337 : i32 to index
        %get3A_341 = arith.constant 0 : index
        %get3A_342 = tpu.vector_load %arg7[%get3A_339, %get3A_340, %get3A_341] {strides = array<i32>} : memref<3x800x32xf32, #tpu.memory_space<vmem>>, vector<1x1x16xf32>,
        %get3A_343 = vector.shape_cast %get3A_342 : vector<1x1x16xf32> to vector<16xf32>
        %add3A_344 = arith.addf %get3A_343, %get3A_272 : vector<16xf32>
        %swap3A_345 = arith.constant 2 : i32
        %swap3A_346 = arith.index_cast %swap3A_345 : i32 to index
        %swap3A_347 = arith.index_cast %add3A_337 : i32 to index
        %swap3A_348 = arith.constant 0 : index
        %swap3A_349 = tpu.vector_load %arg7[%swap3A_346, %swap3A_347, %swap3A_348] {strides = array<i32>} : memref<3x800x32xf32, #tpu.memory_space<vmem>>, vector<1x1x16xf32>,
        %swap3A_350 = vector.shape_cast %swap3A_349 : vector<1x1x16xf32> to vector<16xf32>
        %swap3A_351 = vector.shape_cast %add3A_344 : vector<16xf32> to vector<1x1x16xf32>
        tpu.vector_store %arg7[%swap3A_346, %swap3A_347, %swap3A_348], %swap3A_351 {strides = array<i32>} : memref<3x800x32xf32, #tpu.memory_space<vmem>>, vector<1x1x16xf32>,
        %get3A_352 = arith.constant 2 : i32
        %get3A_353 = arith.index_cast %get3A_352 : i32 to index
        %get3A_354 = arith.index_cast %add3A_337 : i32 to index
        %get3A_355 = arith.constant 16 : index
        %get3A_356 = tpu.vector_load %arg7[%get3A_353, %get3A_354, %get3A_355] {strides = array<i32>} : memref<3x800x32xf32, #tpu.memory_space<vmem>>, vector<1x1x16xf32>,
        %get3A_357 = vector.shape_cast %get3A_356 : vector<1x1x16xf32> to vector<16xf32>
        %add3A_358 = arith.addf %get3A_357, %get3A_276 : vector<16xf32>
        %swap3A_359 = arith.constant 2 : i32
        %swap3A_360 = arith.index_cast %swap3A_359 : i32 to index
        %swap3A_361 = arith.index_cast %add3A_337 : i32 to index
        %swap3A_362 = arith.constant 16 : index
        %swap3A_363 = tpu.vector_load %arg7[%swap3A_360, %swap3A_361, %swap3A_362] {strides = array<i32>} : memref<3x800x32xf32, #tpu.memory_space<vmem>>, vector<1x1x16xf32>,
        %swap3A_364 = vector.shape_cast %swap3A_363 : vector<1x1x16xf32> to vector<16xf32>
        %swap3A_365 = vector.shape_cast %add3A_358 : vector<16xf32> to vector<1x1x16xf32>
        tpu.vector_store %arg7[%swap3A_360, %swap3A_361, %swap3A_362], %swap3A_365 {strides = array<i32>} : memref<3x800x32xf32, #tpu.memory_space<vmem>>, vector<1x1x16xf32>,
        %add3A_366 = arith.constant 600 : i32
        %add3A_367 = arith.addi %add3A_366, %scan3A_269 : i32
        %get3A_368 = arith.constant 2 : i32
        %get3A_369 = arith.index_cast %get3A_368 : i32 to index
        %get3A_370 = arith.index_cast %add3A_367 : i32 to index
        %get3A_371 = arith.constant 0 : index
        %get3A_372 = tpu.vector_load %arg7[%get3A_369, %get3A_370, %get3A_371] {strides = array<i32>} : memref<3x800x32xf32, #tpu.memory_space<vmem>>, vector<1x1x16xf32>,
        %get3A_373 = vector.shape_cast %get3A_372 : vector<1x1x16xf32> to vector<16xf32>
        %add3A_374 = arith.addf %get3A_373, %get3A_272 : vector<16xf32>
        %swap3A_375 = arith.constant 2 : i32
        %swap3A_376 = arith.index_cast %swap3A_375 : i32 to index
        %swap3A_377 = arith.index_cast %add3A_367 : i32 to index
        %swap3A_378 = arith.constant 0 : index
        %swap3A_379 = tpu.vector_load %arg7[%swap3A_376, %swap3A_377, %swap3A_378] {strides = array<i32>} : memref<3x800x32xf32, #tpu.memory_space<vmem>>, vector<1x1x16xf32>,
        %swap3A_380 = vector.shape_cast %swap3A_379 : vector<1x1x16xf32> to vector<16xf32>
        %swap3A_381 = vector.shape_cast %add3A_374 : vector<16xf32> to vector<1x1x16xf32>
        tpu.vector_store %arg7[%swap3A_376, %swap3A_377, %swap3A_378], %swap3A_381 {strides = array<i32>} : memref<3x800x32xf32, #tpu.memory_space<vmem>>, vector<1x1x16xf32>,
        %get3A_382 = arith.constant 2 : i32
        %get3A_383 = arith.index_cast %get3A_382 : i32 to index
        %get3A_384 = arith.index_cast %add3A_367 : i32 to index
        %get3A_385 = arith.constant 16 : index
        %get3A_386 = tpu.vector_load %arg7[%get3A_383, %get3A_384, %get3A_385] {strides = array<i32>} : memref<3x800x32xf32, #tpu.memory_space<vmem>>, vector<1x1x16xf32>,
        %get3A_387 = vector.shape_cast %get3A_386 : vector<1x1x16xf32> to vector<16xf32>
        %add3A_388 = arith.addf %get3A_387, %get3A_276 : vector<16xf32>
        %swap3A_389 = arith.constant 2 : i32
        %swap3A_390 = arith.index_cast %swap3A_389 : i32 to index
        %swap3A_391 = arith.index_cast %add3A_367 : i32 to index
        %swap3A_392 = arith.constant 16 : index
        %swap3A_393 = tpu.vector_load %arg7[%swap3A_390, %swap3A_391, %swap3A_392] {strides = array<i32>} : memref<3x800x32xf32, #tpu.memory_space<vmem>>, vector<1x1x16xf32>,
        %swap3A_394 = vector.shape_cast %swap3A_393 : vector<1x1x16xf32> to vector<16xf32>
        %swap3A_395 = vector.shape_cast %add3A_388 : vector<16xf32> to vector<1x1x16xf32>
        tpu.vector_store %arg7[%swap3A_390, %swap3A_391, %swap3A_392], %swap3A_395 {strides = array<i32>} : memref<3x800x32xf32, #tpu.memory_space<vmem>>, vector<1x1x16xf32>,
      }
      %scan3A_245 = arith.constant 200 : i32
      %mul3A_246 = arith.constant 800 : i32
      %mul3A_247 = arith.muli %add3A_228, %mul3A_246 : i32
      %add3A_248 = arith.addi %mul3A_2, %mul3A_247 : i32
      %dma_start3A_249 = arith.constant 2 : i32
      %dma_start3A_250 = arith.constant 0 : i32
      %dma_start3A_251 = arith.constant 0 : i32
      %dma_start3A_252 = tpu.memref_slice %arg7[%dma_start3A_249, %dma_start3A_250, %dma_start3A_251] : memref<3x800x32xf32, #tpu.memory_space<vmem>> -> memref<1x800x32xf32, #tpu.memory_space<vmem>>
      %dma_start3A_253 = tpu.memref_squeeze %dma_start3A_252 : memref<1x800x32xf32, #tpu.memory_space<vmem>> -> memref<800x32xf32, #tpu.memory_space<vmem>>
      %dma_start3A_254 = arith.constant 0 : i32
      %dma_start3A_255 = tpu.memref_slice %arg5[%add3A_248, %dma_start3A_254] : memref<819200x32xf32, #tpu.memory_space<hbm>> -> memref<800x32xf32, #tpu.memory_space<hbm>>
      %dma_start3A_256 = arith.constant 0 : i32
      %dma_start3A_257 = tpu.memref_slice %arg5[%add3A_248, %dma_start3A_256] : memref<819200x32xf32, #tpu.memory_space<hbm>> -> memref<800x32xf32, #tpu.memory_space<hbm>>
      %dma_start3A_258 = arith.constant 0 : i32
      %dma_start3A_259 = arith.constant 0 : i32
      %dma_start3A_260 = tpu.memref_slice %arg7[%dma_start3A_249, %dma_start3A_258, %dma_start3A_259] : memref<3x800x32xf32, #tpu.memory_space<vmem>> -> memref<1x800x32xf32, #tpu.memory_space<vmem>>
      %dma_start3A_261 = tpu.memref_squeeze %dma_start3A_260 : memref<1x800x32xf32, #tpu.memory_space<vmem>> -> memref<800x32xf32, #tpu.memory_space<vmem>>
      tpu.enqueue_dma source(%dma_start3A_261 : memref<800x32xf32, #tpu.memory_space<vmem>>) target(%dma_start3A_257 : memref<800x32xf32, #tpu.memory_space<hbm>>) target_semaphore(%arg14 : memref<!tpu.dma_semaphore, #tpu.memory_space<semaphore_mem>>)
      %add3A_262 = arith.constant 3 : i32
      %add3A_263 = arith.addi %add3A_228, %add3A_262 : i32
      %lt3A_264 = arith.constant 32 : i32
      %lt3A_265 = arith.cmpi slt, %add3A_263, %lt3A_264 : i32
      %convert_element_type3A_266 = arith.extui %lt3A_265 : i1 to i32
      %cond3A_267 = arith.constant 0 : i32
      %cond3A_268 = arith.cmpi ne, %convert_element_type3A_266, %cond3A_267 : i32
      scf.if %cond3A_268 {
        %mul3A_269 = arith.constant 800 : i32
        %mul3A_270 = arith.muli %add3A_228, %mul3A_269 : i32
        %add3A_271 = arith.addi %mul3A_2, %mul3A_270 : i32
        %dma_wait3A_272 = arith.constant 2 : i32
        %dma_wait3A_273 = arith.constant 0 : i32
        %dma_wait3A_274 = arith.constant 0 : i32
        %dma_wait3A_275 = tpu.memref_slice %arg7[%dma_wait3A_272, %dma_wait3A_273, %dma_wait3A_274] : memref<3x800x32xf32, #tpu.memory_space<vmem>> -> memref<1x800x32xf32, #tpu.memory_space<vmem>>
        %dma_wait3A_276 = tpu.memref_squeeze %dma_wait3A_275 : memref<1x800x32xf32, #tpu.memory_space<vmem>> -> memref<800x32xf32, #tpu.memory_space<vmem>>
        %dma_wait3A_277 = arith.constant 0 : i32
        %dma_wait3A_278 = tpu.memref_slice %arg5[%add3A_271, %dma_wait3A_277] : memref<819200x32xf32, #tpu.memory_space<hbm>> -> memref<800x32xf32, #tpu.memory_space<hbm>>
        %dma_wait3A_279 = arith.constant 0 : i32
        %dma_wait3A_280 = tpu.memref_slice %arg5[%add3A_271, %dma_wait3A_279] : memref<819200x32xf32, #tpu.memory_space<hbm>> -> memref<800x32xf32, #tpu.memory_space<hbm>>
        %dma_wait3A_281 = arith.constant 0 : i32
        %dma_wait3A_282 = arith.constant 0 : i32
        %dma_wait3A_283 = tpu.memref_slice %arg7[%dma_wait3A_272, %dma_wait3A_281, %dma_wait3A_282] : memref<3x800x32xf32, #tpu.memory_space<vmem>> -> memref<1x800x32xf32, #tpu.memory_space<vmem>>
        %dma_wait3A_284 = tpu.memref_squeeze %dma_wait3A_283 : memref<1x800x32xf32, #tpu.memory_space<vmem>> -> memref<800x32xf32, #tpu.memory_space<vmem>>
        tpu.wait_dma2 semaphore(%arg14 : memref<!tpu.dma_semaphore, #tpu.memory_space<semaphore_mem>>) src(%dma_wait3A_284 : memref<800x32xf32, #tpu.memory_space<vmem>>) dst(%dma_wait3A_280 : memref<800x32xf32, #tpu.memory_space<hbm>>)
        %add3A_285 = arith.constant 3 : i32
        %add3A_286 = arith.addi %add3A_228, %add3A_285 : i32
        %mul3A_287 = arith.constant 800 : i32
        %mul3A_288 = arith.muli %add3A_286, %mul3A_287 : i32
        %dma_start3A_289 = arith.constant 2 : i32
        %dma_start3A_290 = arith.constant 0 : i32
        %dma_start3A_291 = arith.constant 0 : i32
        %dma_start3A_292 = tpu.memref_slice %arg7[%dma_start3A_289, %dma_start3A_290, %dma_start3A_291] : memref<3x800x32xf32, #tpu.memory_space<vmem>> -> memref<1x800x32xf32, #tpu.memory_space<vmem>>
        %dma_start3A_293 = tpu.memref_squeeze %dma_start3A_292 : memref<1x800x32xf32, #tpu.memory_space<vmem>> -> memref<800x32xf32, #tpu.memory_space<vmem>>
        %dma_start3A_294 = tpu.memref_slice %arg6[%mul3A_288] : memref<25600xi32, #tpu.memory_space<vmem>> -> memref<800xi32, #tpu.memory_space<vmem>>
        %dma_start3A_295 = arith.constant 0 : i32
        %dma_start3A_296 = arith.constant 0 : i32
        %dma_start3A_297 = tpu.memref_slice %arg3[%dma_start3A_295, %dma_start3A_296] : memref<1000000x32xf32, #tpu.memory_space<hbm>> -> memref<1000000x32xf32, #tpu.memory_space<hbm>>
        tpu.enqueue_indirect_dma source(%dma_start3A_297 : memref<1000000x32xf32, #tpu.memory_space<hbm>>) target(%dma_start3A_293 : memref<800x32xf32, #tpu.memory_space<vmem>>) offsets(%dma_start3A_294 : memref<800xi32, #tpu.memory_space<vmem>>) semaphore(%arg11 : memref<!tpu.dma_semaphore, #tpu.memory_space<semaphore_mem>>)
      } else {
      }
    }
    %scan3A_36 = arith.constant 10 : i32
    %dma_wait3A = arith.constant 0 : i32
    %dma_wait3A_37 = arith.constant 0 : i32
    %dma_wait3A_38 = arith.constant 0 : i32
    %dma_wait3A_39 = tpu.memref_slice %arg7[%dma_wait3A, %dma_wait3A_37, %dma_wait3A_38] : memref<3x800x32xf32, #tpu.memory_space<vmem>> -> memref<1x800x32xf32, #tpu.memory_space<vmem>>
    %dma_wait3A_40 = tpu.memref_squeeze %dma_wait3A_39 : memref<1x800x32xf32, #tpu.memory_space<vmem>> -> memref<800x32xf32, #tpu.memory_space<vmem>>
    %dma_wait3A_41 = arith.constant 24000 : i32
    %dma_wait3A_42 = tpu.memref_slice %arg6[%dma_wait3A_41] : memref<25600xi32, #tpu.memory_space<vmem>> -> memref<800xi32, #tpu.memory_space<vmem>>
    %dma_wait3A_43 = arith.constant 0 : i32
    %dma_wait3A_44 = arith.constant 0 : i32
    %dma_wait3A_45 = tpu.memref_slice %arg3[%dma_wait3A_43, %dma_wait3A_44] : memref<1000000x32xf32, #tpu.memory_space<hbm>> -> memref<1000000x32xf32, #tpu.memory_space<hbm>>
    tpu.wait_indirect_dma semaphore(%arg9 : memref<!tpu.dma_semaphore, #tpu.memory_space<semaphore_mem>>) src(%dma_wait3A_45 : memref<1000000x32xf32, #tpu.memory_space<hbm>>) dst(%dma_wait3A_40 : memref<800x32xf32, #tpu.memory_space<vmem>>)
    %scan3A_46 = arith.constant 0 : i32
    %scan3A_47 = arith.constant 0 : i32
    %scan3A_48 = arith.constant 200 : i32
    %scan3A_49 = arith.addi %scan3A_47, %scan3A_48 : i32
    %scan3A_50 = arith.constant 1 : i32
    scf.for %scan3A_143 = %scan3A_47 to %scan3A_49 step %scan3A_50  : i32 {
      %get3A = arith.index_cast %scan3A_143 : i32 to index
      %get3A_144 = arith.constant 0 : index
      %get3A_145 = tpu.vector_load %arg8[%get3A, %get3A_144] {strides = array<i32>} : memref<200x32xf32, #tpu.memory_space<vmem>>, vector<1x16xf32>,
      %get3A_146 = vector.shape_cast %get3A_145 : vector<1x16xf32> to vector<16xf32>
      %get3A_147 = arith.index_cast %scan3A_143 : i32 to index
      %get3A_148 = arith.constant 16 : index
      %get3A_149 = tpu.vector_load %arg8[%get3A_147, %get3A_148] {strides = array<i32>} : memref<200x32xf32, #tpu.memory_space<vmem>>, vector<1x16xf32>,
      %get3A_150 = vector.shape_cast %get3A_149 : vector<1x16xf32> to vector<16xf32>
      %add3A_151 = arith.constant 0 : i32
      %add3A_152 = arith.addi %add3A_151, %scan3A_143 : i32
      %get3A_153 = arith.constant 0 : i32
      %get3A_154 = arith.index_cast %get3A_153 : i32 to index
      %get3A_155 = arith.index_cast %add3A_152 : i32 to index
      %get3A_156 = arith.constant 0 : index
      %get3A_157 = tpu.vector_load %arg7[%get3A_154, %get3A_155, %get3A_156] {strides = array<i32>} : memref<3x800x32xf32, #tpu.memory_space<vmem>>, vector<1x1x16xf32>,
      %get3A_158 = vector.shape_cast %get3A_157 : vector<1x1x16xf32> to vector<16xf32>
      %add3A_159 = arith.addf %get3A_158, %get3A_146 : vector<16xf32>
      %swap3A = arith.constant 0 : i32
      %swap3A_160 = arith.index_cast %swap3A : i32 to index
      %swap3A_161 = arith.index_cast %add3A_152 : i32 to index
      %swap3A_162 = arith.constant 0 : index
      %swap3A_163 = tpu.vector_load %arg7[%swap3A_160, %swap3A_161, %swap3A_162] {strides = array<i32>} : memref<3x800x32xf32, #tpu.memory_space<vmem>>, vector<1x1x16xf32>,
      %swap3A_164 = vector.shape_cast %swap3A_163 : vector<1x1x16xf32> to vector<16xf32>
      %swap3A_165 = vector.shape_cast %add3A_159 : vector<16xf32> to vector<1x1x16xf32>
      tpu.vector_store %arg7[%swap3A_160, %swap3A_161, %swap3A_162], %swap3A_165 {strides = array<i32>} : memref<3x800x32xf32, #tpu.memory_space<vmem>>, vector<1x1x16xf32>,
      %get3A_166 = arith.constant 0 : i32
      %get3A_167 = arith.index_cast %get3A_166 : i32 to index
      %get3A_168 = arith.index_cast %add3A_152 : i32 to index
      %get3A_169 = arith.constant 16 : index
      %get3A_170 = tpu.vector_load %arg7[%get3A_167, %get3A_168, %get3A_169] {strides = array<i32>} : memref<3x800x32xf32, #tpu.memory_space<vmem>>, vector<1x1x16xf32>,
      %get3A_171 = vector.shape_cast %get3A_170 : vector<1x1x16xf32> to vector<16xf32>
      %add3A_172 = arith.addf %get3A_171, %get3A_150 : vector<16xf32>
      %swap3A_173 = arith.constant 0 : i32
      %swap3A_174 = arith.index_cast %swap3A_173 : i32 to index
      %swap3A_175 = arith.index_cast %add3A_152 : i32 to index
      %swap3A_176 = arith.constant 16 : index
      %swap3A_177 = tpu.vector_load %arg7[%swap3A_174, %swap3A_175, %swap3A_176] {strides = array<i32>} : memref<3x800x32xf32, #tpu.memory_space<vmem>>, vector<1x1x16xf32>,
      %swap3A_178 = vector.shape_cast %swap3A_177 : vector<1x1x16xf32> to vector<16xf32>
      %swap3A_179 = vector.shape_cast %add3A_172 : vector<16xf32> to vector<1x1x16xf32>
      tpu.vector_store %arg7[%swap3A_174, %swap3A_175, %swap3A_176], %swap3A_179 {strides = array<i32>} : memref<3x800x32xf32, #tpu.memory_space<vmem>>, vector<1x1x16xf32>,
      %add3A_180 = arith.constant 200 : i32
      %add3A_181 = arith.addi %add3A_180, %scan3A_143 : i32
      %get3A_182 = arith.constant 0 : i32
      %get3A_183 = arith.index_cast %get3A_182 : i32 to index
      %get3A_184 = arith.index_cast %add3A_181 : i32 to index
      %get3A_185 = arith.constant 0 : index
      %get3A_186 = tpu.vector_load %arg7[%get3A_183, %get3A_184, %get3A_185] {strides = array<i32>} : memref<3x800x32xf32, #tpu.memory_space<vmem>>, vector<1x1x16xf32>,
      %get3A_187 = vector.shape_cast %get3A_186 : vector<1x1x16xf32> to vector<16xf32>
      %add3A_188 = arith.addf %get3A_187, %get3A_146 : vector<16xf32>
      %swap3A_189 = arith.constant 0 : i32
      %swap3A_190 = arith.index_cast %swap3A_189 : i32 to index
      %swap3A_191 = arith.index_cast %add3A_181 : i32 to index
      %swap3A_192 = arith.constant 0 : index
      %swap3A_193 = tpu.vector_load %arg7[%swap3A_190, %swap3A_191, %swap3A_192] {strides = array<i32>} : memref<3x800x32xf32, #tpu.memory_space<vmem>>, vector<1x1x16xf32>,
      %swap3A_194 = vector.shape_cast %swap3A_193 : vector<1x1x16xf32> to vector<16xf32>
      %swap3A_195 = vector.shape_cast %add3A_188 : vector<16xf32> to vector<1x1x16xf32>
      tpu.vector_store %arg7[%swap3A_190, %swap3A_191, %swap3A_192], %swap3A_195 {strides = array<i32>} : memref<3x800x32xf32, #tpu.memory_space<vmem>>, vector<1x1x16xf32>,
      %get3A_196 = arith.constant 0 : i32
      %get3A_197 = arith.index_cast %get3A_196 : i32 to index
      %get3A_198 = arith.index_cast %add3A_181 : i32 to index
      %get3A_199 = arith.constant 16 : index
      %get3A_200 = tpu.vector_load %arg7[%get3A_197, %get3A_198, %get3A_199] {strides = array<i32>} : memref<3x800x32xf32, #tpu.memory_space<vmem>>, vector<1x1x16xf32>,
      %get3A_201 = vector.shape_cast %get3A_200 : vector<1x1x16xf32> to vector<16xf32>
      %add3A_202 = arith.addf %get3A_201, %get3A_150 : vector<16xf32>
      %swap3A_203 = arith.constant 0 : i32
      %swap3A_204 = arith.index_cast %swap3A_203 : i32 to index
      %swap3A_205 = arith.index_cast %add3A_181 : i32 to index
      %swap3A_206 = arith.constant 16 : index
      %swap3A_207 = tpu.vector_load %arg7[%swap3A_204, %swap3A_205, %swap3A_206] {strides = array<i32>} : memref<3x800x32xf32, #tpu.memory_space<vmem>>, vector<1x1x16xf32>,
      %swap3A_208 = vector.shape_cast %swap3A_207 : vector<1x1x16xf32> to vector<16xf32>
      %swap3A_209 = vector.shape_cast %add3A_202 : vector<16xf32> to vector<1x1x16xf32>
      tpu.vector_store %arg7[%swap3A_204, %swap3A_205, %swap3A_206], %swap3A_209 {strides = array<i32>} : memref<3x800x32xf32, #tpu.memory_space<vmem>>, vector<1x1x16xf32>,
      %add3A_210 = arith.constant 400 : i32
      %add3A_211 = arith.addi %add3A_210, %scan3A_143 : i32
      %get3A_212 = arith.constant 0 : i32
      %get3A_213 = arith.index_cast %get3A_212 : i32 to index
      %get3A_214 = arith.index_cast %add3A_211 : i32 to index
      %get3A_215 = arith.constant 0 : index
      %get3A_216 = tpu.vector_load %arg7[%get3A_213, %get3A_214, %get3A_215] {strides = array<i32>} : memref<3x800x32xf32, #tpu.memory_space<vmem>>, vector<1x1x16xf32>,
      %get3A_217 = vector.shape_cast %get3A_216 : vector<1x1x16xf32> to vector<16xf32>
      %add3A_218 = arith.addf %get3A_217, %get3A_146 : vector<16xf32>
      %swap3A_219 = arith.constant 0 : i32
      %swap3A_220 = arith.index_cast %swap3A_219 : i32 to index
      %swap3A_221 = arith.index_cast %add3A_211 : i32 to index
      %swap3A_222 = arith.constant 0 : index
      %swap3A_223 = tpu.vector_load %arg7[%swap3A_220, %swap3A_221, %swap3A_222] {strides = array<i32>} : memref<3x800x32xf32, #tpu.memory_space<vmem>>, vector<1x1x16xf32>,
      %swap3A_224 = vector.shape_cast %swap3A_223 : vector<1x1x16xf32> to vector<16xf32>
      %swap3A_225 = vector.shape_cast %add3A_218 : vector<16xf32> to vector<1x1x16xf32>
      tpu.vector_store %arg7[%swap3A_220, %swap3A_221, %swap3A_222], %swap3A_225 {strides = array<i32>} : memref<3x800x32xf32, #tpu.memory_space<vmem>>, vector<1x1x16xf32>,
      %get3A_226 = arith.constant 0 : i32
      %get3A_227 = arith.index_cast %get3A_226 : i32 to index
      %get3A_228 = arith.index_cast %add3A_211 : i32 to index
      %get3A_229 = arith.constant 16 : index
      %get3A_230 = tpu.vector_load %arg7[%get3A_227, %get3A_228, %get3A_229] {strides = array<i32>} : memref<3x800x32xf32, #tpu.memory_space<vmem>>, vector<1x1x16xf32>,
      %get3A_231 = vector.shape_cast %get3A_230 : vector<1x1x16xf32> to vector<16xf32>
      %add3A_232 = arith.addf %get3A_231, %get3A_150 : vector<16xf32>
      %swap3A_233 = arith.constant 0 : i32
      %swap3A_234 = arith.index_cast %swap3A_233 : i32 to index
      %swap3A_235 = arith.index_cast %add3A_211 : i32 to index
      %swap3A_236 = arith.constant 16 : index
      %swap3A_237 = tpu.vector_load %arg7[%swap3A_234, %swap3A_235, %swap3A_236] {strides = array<i32>} : memref<3x800x32xf32, #tpu.memory_space<vmem>>, vector<1x1x16xf32>,
      %swap3A_238 = vector.shape_cast %swap3A_237 : vector<1x1x16xf32> to vector<16xf32>
      %swap3A_239 = vector.shape_cast %add3A_232 : vector<16xf32> to vector<1x1x16xf32>
      tpu.vector_store %arg7[%swap3A_234, %swap3A_235, %swap3A_236], %swap3A_239 {strides = array<i32>} : memref<3x800x32xf32, #tpu.memory_space<vmem>>, vector<1x1x16xf32>,
      %add3A_240 = arith.constant 600 : i32
      %add3A_241 = arith.addi %add3A_240, %scan3A_143 : i32
      %get3A_242 = arith.constant 0 : i32
      %get3A_243 = arith.index_cast %get3A_242 : i32 to index
      %get3A_244 = arith.index_cast %add3A_241 : i32 to index
      %get3A_245 = arith.constant 0 : index
      %get3A_246 = tpu.vector_load %arg7[%get3A_243, %get3A_244, %get3A_245] {strides = array<i32>} : memref<3x800x32xf32, #tpu.memory_space<vmem>>, vector<1x1x16xf32>,
      %get3A_247 = vector.shape_cast %get3A_246 : vector<1x1x16xf32> to vector<16xf32>
      %add3A_248 = arith.addf %get3A_247, %get3A_146 : vector<16xf32>
      %swap3A_249 = arith.constant 0 : i32
      %swap3A_250 = arith.index_cast %swap3A_249 : i32 to index
      %swap3A_251 = arith.index_cast %add3A_241 : i32 to index
      %swap3A_252 = arith.constant 0 : index
      %swap3A_253 = tpu.vector_load %arg7[%swap3A_250, %swap3A_251, %swap3A_252] {strides = array<i32>} : memref<3x800x32xf32, #tpu.memory_space<vmem>>, vector<1x1x16xf32>,
      %swap3A_254 = vector.shape_cast %swap3A_253 : vector<1x1x16xf32> to vector<16xf32>
      %swap3A_255 = vector.shape_cast %add3A_248 : vector<16xf32> to vector<1x1x16xf32>
      tpu.vector_store %arg7[%swap3A_250, %swap3A_251, %swap3A_252], %swap3A_255 {strides = array<i32>} : memref<3x800x32xf32, #tpu.memory_space<vmem>>, vector<1x1x16xf32>,
      %get3A_256 = arith.constant 0 : i32
      %get3A_257 = arith.index_cast %get3A_256 : i32 to index
      %get3A_258 = arith.index_cast %add3A_241 : i32 to index
      %get3A_259 = arith.constant 16 : index
      %get3A_260 = tpu.vector_load %arg7[%get3A_257, %get3A_258, %get3A_259] {strides = array<i32>} : memref<3x800x32xf32, #tpu.memory_space<vmem>>, vector<1x1x16xf32>,
      %get3A_261 = vector.shape_cast %get3A_260 : vector<1x1x16xf32> to vector<16xf32>
      %add3A_262 = arith.addf %get3A_261, %get3A_150 : vector<16xf32>
      %swap3A_263 = arith.constant 0 : i32
      %swap3A_264 = arith.index_cast %swap3A_263 : i32 to index
      %swap3A_265 = arith.index_cast %add3A_241 : i32 to index
      %swap3A_266 = arith.constant 16 : index
      %swap3A_267 = tpu.vector_load %arg7[%swap3A_264, %swap3A_265, %swap3A_266] {strides = array<i32>} : memref<3x800x32xf32, #tpu.memory_space<vmem>>, vector<1x1x16xf32>,
      %swap3A_268 = vector.shape_cast %swap3A_267 : vector<1x1x16xf32> to vector<16xf32>
      %swap3A_269 = vector.shape_cast %add3A_262 : vector<16xf32> to vector<1x1x16xf32>
      tpu.vector_store %arg7[%swap3A_264, %swap3A_265, %swap3A_266], %swap3A_269 {strides = array<i32>} : memref<3x800x32xf32, #tpu.memory_space<vmem>>, vector<1x1x16xf32>,
    }
    %scan3A_51 = arith.constant 200 : i32
    %add3A_52 = arith.constant 24000 : i32
    %add3A_53 = arith.addi %mul3A_2, %add3A_52 : i32
    %dma_start3A_54 = arith.constant 0 : i32
    %dma_start3A_55 = arith.constant 0 : i32
    %dma_start3A_56 = arith.constant 0 : i32
    %dma_start3A_57 = tpu.memref_slice %arg7[%dma_start3A_54, %dma_start3A_55, %dma_start3A_56] : memref<3x800x32xf32, #tpu.memory_space<vmem>> -> memref<1x800x32xf32, #tpu.memory_space<vmem>>
    %dma_start3A_58 = tpu.memref_squeeze %dma_start3A_57 : memref<1x800x32xf32, #tpu.memory_space<vmem>> -> memref<800x32xf32, #tpu.memory_space<vmem>>
    %dma_start3A_59 = arith.constant 0 : i32
    %dma_start3A_60 = tpu.memref_slice %arg5[%add3A_53, %dma_start3A_59] : memref<819200x32xf32, #tpu.memory_space<hbm>> -> memref<800x32xf32, #tpu.memory_space<hbm>>
    %dma_start3A_61 = arith.constant 0 : i32
    %dma_start3A_62 = tpu.memref_slice %arg5[%add3A_53, %dma_start3A_61] : memref<819200x32xf32, #tpu.memory_space<hbm>> -> memref<800x32xf32, #tpu.memory_space<hbm>>
    %dma_start3A_63 = arith.constant 0 : i32
    %dma_start3A_64 = arith.constant 0 : i32
    %dma_start3A_65 = tpu.memref_slice %arg7[%dma_start3A_54, %dma_start3A_63, %dma_start3A_64] : memref<3x800x32xf32, #tpu.memory_space<vmem>> -> memref<1x800x32xf32, #tpu.memory_space<vmem>>
    %dma_start3A_66 = tpu.memref_squeeze %dma_start3A_65 : memref<1x800x32xf32, #tpu.memory_space<vmem>> -> memref<800x32xf32, #tpu.memory_space<vmem>>
    tpu.enqueue_dma source(%dma_start3A_66 : memref<800x32xf32, #tpu.memory_space<vmem>>) target(%dma_start3A_62 : memref<800x32xf32, #tpu.memory_space<hbm>>) target_semaphore(%arg12 : memref<!tpu.dma_semaphore, #tpu.memory_space<semaphore_mem>>)
    %dma_wait3A_67 = arith.constant 1 : i32
    %dma_wait3A_68 = arith.constant 0 : i32
    %dma_wait3A_69 = arith.constant 0 : i32
    %dma_wait3A_70 = tpu.memref_slice %arg7[%dma_wait3A_67, %dma_wait3A_68, %dma_wait3A_69] : memref<3x800x32xf32, #tpu.memory_space<vmem>> -> memref<1x800x32xf32, #tpu.memory_space<vmem>>
    %dma_wait3A_71 = tpu.memref_squeeze %dma_wait3A_70 : memref<1x800x32xf32, #tpu.memory_space<vmem>> -> memref<800x32xf32, #tpu.memory_space<vmem>>
    %dma_wait3A_72 = arith.constant 24800 : i32
    %dma_wait3A_73 = tpu.memref_slice %arg6[%dma_wait3A_72] : memref<25600xi32, #tpu.memory_space<vmem>> -> memref<800xi32, #tpu.memory_space<vmem>>
    %dma_wait3A_74 = arith.constant 0 : i32
    %dma_wait3A_75 = arith.constant 0 : i32
    %dma_wait3A_76 = tpu.memref_slice %arg3[%dma_wait3A_74, %dma_wait3A_75] : memref<1000000x32xf32, #tpu.memory_space<hbm>> -> memref<1000000x32xf32, #tpu.memory_space<hbm>>
    tpu.wait_indirect_dma semaphore(%arg10 : memref<!tpu.dma_semaphore, #tpu.memory_space<semaphore_mem>>) src(%dma_wait3A_76 : memref<1000000x32xf32, #tpu.memory_space<hbm>>) dst(%dma_wait3A_71 : memref<800x32xf32, #tpu.memory_space<vmem>>)
    %scan3A_77 = arith.constant 0 : i32
    %scan3A_78 = arith.constant 0 : i32
    %scan3A_79 = arith.constant 200 : i32
    %scan3A_80 = arith.addi %scan3A_78, %scan3A_79 : i32
    %scan3A_81 = arith.constant 1 : i32
    scf.for %scan3A_143 = %scan3A_78 to %scan3A_80 step %scan3A_81  : i32 {
      %get3A = arith.index_cast %scan3A_143 : i32 to index
      %get3A_144 = arith.constant 0 : index
      %get3A_145 = tpu.vector_load %arg8[%get3A, %get3A_144] {strides = array<i32>} : memref<200x32xf32, #tpu.memory_space<vmem>>, vector<1x16xf32>,
      %get3A_146 = vector.shape_cast %get3A_145 : vector<1x16xf32> to vector<16xf32>
      %get3A_147 = arith.index_cast %scan3A_143 : i32 to index
      %get3A_148 = arith.constant 16 : index
      %get3A_149 = tpu.vector_load %arg8[%get3A_147, %get3A_148] {strides = array<i32>} : memref<200x32xf32, #tpu.memory_space<vmem>>, vector<1x16xf32>,
      %get3A_150 = vector.shape_cast %get3A_149 : vector<1x16xf32> to vector<16xf32>
      %add3A_151 = arith.constant 0 : i32
      %add3A_152 = arith.addi %add3A_151, %scan3A_143 : i32
      %get3A_153 = arith.constant 1 : i32
      %get3A_154 = arith.index_cast %get3A_153 : i32 to index
      %get3A_155 = arith.index_cast %add3A_152 : i32 to index
      %get3A_156 = arith.constant 0 : index
      %get3A_157 = tpu.vector_load %arg7[%get3A_154, %get3A_155, %get3A_156] {strides = array<i32>} : memref<3x800x32xf32, #tpu.memory_space<vmem>>, vector<1x1x16xf32>,
      %get3A_158 = vector.shape_cast %get3A_157 : vector<1x1x16xf32> to vector<16xf32>
      %add3A_159 = arith.addf %get3A_158, %get3A_146 : vector<16xf32>
      %swap3A = arith.constant 1 : i32
      %swap3A_160 = arith.index_cast %swap3A : i32 to index
      %swap3A_161 = arith.index_cast %add3A_152 : i32 to index
      %swap3A_162 = arith.constant 0 : index
      %swap3A_163 = tpu.vector_load %arg7[%swap3A_160, %swap3A_161, %swap3A_162] {strides = array<i32>} : memref<3x800x32xf32, #tpu.memory_space<vmem>>, vector<1x1x16xf32>,
      %swap3A_164 = vector.shape_cast %swap3A_163 : vector<1x1x16xf32> to vector<16xf32>
      %swap3A_165 = vector.shape_cast %add3A_159 : vector<16xf32> to vector<1x1x16xf32>
      tpu.vector_store %arg7[%swap3A_160, %swap3A_161, %swap3A_162], %swap3A_165 {strides = array<i32>} : memref<3x800x32xf32, #tpu.memory_space<vmem>>, vector<1x1x16xf32>,
      %get3A_166 = arith.constant 1 : i32
      %get3A_167 = arith.index_cast %get3A_166 : i32 to index
      %get3A_168 = arith.index_cast %add3A_152 : i32 to index
      %get3A_169 = arith.constant 16 : index
      %get3A_170 = tpu.vector_load %arg7[%get3A_167, %get3A_168, %get3A_169] {strides = array<i32>} : memref<3x800x32xf32, #tpu.memory_space<vmem>>, vector<1x1x16xf32>,
      %get3A_171 = vector.shape_cast %get3A_170 : vector<1x1x16xf32> to vector<16xf32>
      %add3A_172 = arith.addf %get3A_171, %get3A_150 : vector<16xf32>
      %swap3A_173 = arith.constant 1 : i32
      %swap3A_174 = arith.index_cast %swap3A_173 : i32 to index
      %swap3A_175 = arith.index_cast %add3A_152 : i32 to index
      %swap3A_176 = arith.constant 16 : index
      %swap3A_177 = tpu.vector_load %arg7[%swap3A_174, %swap3A_175, %swap3A_176] {strides = array<i32>} : memref<3x800x32xf32, #tpu.memory_space<vmem>>, vector<1x1x16xf32>,
      %swap3A_178 = vector.shape_cast %swap3A_177 : vector<1x1x16xf32> to vector<16xf32>
      %swap3A_179 = vector.shape_cast %add3A_172 : vector<16xf32> to vector<1x1x16xf32>
      tpu.vector_store %arg7[%swap3A_174, %swap3A_175, %swap3A_176], %swap3A_179 {strides = array<i32>} : memref<3x800x32xf32, #tpu.memory_space<vmem>>, vector<1x1x16xf32>,
      %add3A_180 = arith.constant 200 : i32
      %add3A_181 = arith.addi %add3A_180, %scan3A_143 : i32
      %get3A_182 = arith.constant 1 : i32
      %get3A_183 = arith.index_cast %get3A_182 : i32 to index
      %get3A_184 = arith.index_cast %add3A_181 : i32 to index
      %get3A_185 = arith.constant 0 : index
      %get3A_186 = tpu.vector_load %arg7[%get3A_183, %get3A_184, %get3A_185] {strides = array<i32>} : memref<3x800x32xf32, #tpu.memory_space<vmem>>, vector<1x1x16xf32>,
      %get3A_187 = vector.shape_cast %get3A_186 : vector<1x1x16xf32> to vector<16xf32>
      %add3A_188 = arith.addf %get3A_187, %get3A_146 : vector<16xf32>
      %swap3A_189 = arith.constant 1 : i32
      %swap3A_190 = arith.index_cast %swap3A_189 : i32 to index
      %swap3A_191 = arith.index_cast %add3A_181 : i32 to index
      %swap3A_192 = arith.constant 0 : index
      %swap3A_193 = tpu.vector_load %arg7[%swap3A_190, %swap3A_191, %swap3A_192] {strides = array<i32>} : memref<3x800x32xf32, #tpu.memory_space<vmem>>, vector<1x1x16xf32>,
      %swap3A_194 = vector.shape_cast %swap3A_193 : vector<1x1x16xf32> to vector<16xf32>
      %swap3A_195 = vector.shape_cast %add3A_188 : vector<16xf32> to vector<1x1x16xf32>
      tpu.vector_store %arg7[%swap3A_190, %swap3A_191, %swap3A_192], %swap3A_195 {strides = array<i32>} : memref<3x800x32xf32, #tpu.memory_space<vmem>>, vector<1x1x16xf32>,
      %get3A_196 = arith.constant 1 : i32
      %get3A_197 = arith.index_cast %get3A_196 : i32 to index
      %get3A_198 = arith.index_cast %add3A_181 : i32 to index
      %get3A_199 = arith.constant 16 : index
      %get3A_200 = tpu.vector_load %arg7[%get3A_197, %get3A_198, %get3A_199] {strides = array<i32>} : memref<3x800x32xf32, #tpu.memory_space<vmem>>, vector<1x1x16xf32>,
      %get3A_201 = vector.shape_cast %get3A_200 : vector<1x1x16xf32> to vector<16xf32>
      %add3A_202 = arith.addf %get3A_201, %get3A_150 : vector<16xf32>
      %swap3A_203 = arith.constant 1 : i32
      %swap3A_204 = arith.index_cast %swap3A_203 : i32 to index
      %swap3A_205 = arith.index_cast %add3A_181 : i32 to index
      %swap3A_206 = arith.constant 16 : index
      %swap3A_207 = tpu.vector_load %arg7[%swap3A_204, %swap3A_205, %swap3A_206] {strides = array<i32>} : memref<3x800x32xf32, #tpu.memory_space<vmem>>, vector<1x1x16xf32>,
      %swap3A_208 = vector.shape_cast %swap3A_207 : vector<1x1x16xf32> to vector<16xf32>
      %swap3A_209 = vector.shape_cast %add3A_202 : vector<16xf32> to vector<1x1x16xf32>
      tpu.vector_store %arg7[%swap3A_204, %swap3A_205, %swap3A_206], %swap3A_209 {strides = array<i32>} : memref<3x800x32xf32, #tpu.memory_space<vmem>>, vector<1x1x16xf32>,
      %add3A_210 = arith.constant 400 : i32
      %add3A_211 = arith.addi %add3A_210, %scan3A_143 : i32
      %get3A_212 = arith.constant 1 : i32
      %get3A_213 = arith.index_cast %get3A_212 : i32 to index
      %get3A_214 = arith.index_cast %add3A_211 : i32 to index
      %get3A_215 = arith.constant 0 : index
      %get3A_216 = tpu.vector_load %arg7[%get3A_213, %get3A_214, %get3A_215] {strides = array<i32>} : memref<3x800x32xf32, #tpu.memory_space<vmem>>, vector<1x1x16xf32>,
      %get3A_217 = vector.shape_cast %get3A_216 : vector<1x1x16xf32> to vector<16xf32>
      %add3A_218 = arith.addf %get3A_217, %get3A_146 : vector<16xf32>
      %swap3A_219 = arith.constant 1 : i32
      %swap3A_220 = arith.index_cast %swap3A_219 : i32 to index
      %swap3A_221 = arith.index_cast %add3A_211 : i32 to index
      %swap3A_222 = arith.constant 0 : index
      %swap3A_223 = tpu.vector_load %arg7[%swap3A_220, %swap3A_221, %swap3A_222] {strides = array<i32>} : memref<3x800x32xf32, #tpu.memory_space<vmem>>, vector<1x1x16xf32>,
      %swap3A_224 = vector.shape_cast %swap3A_223 : vector<1x1x16xf32> to vector<16xf32>
      %swap3A_225 = vector.shape_cast %add3A_218 : vector<16xf32> to vector<1x1x16xf32>
      tpu.vector_store %arg7[%swap3A_220, %swap3A_221, %swap3A_222], %swap3A_225 {strides = array<i32>} : memref<3x800x32xf32, #tpu.memory_space<vmem>>, vector<1x1x16xf32>,
      %get3A_226 = arith.constant 1 : i32
      %get3A_227 = arith.index_cast %get3A_226 : i32 to index
      %get3A_228 = arith.index_cast %add3A_211 : i32 to index
      %get3A_229 = arith.constant 16 : index
      %get3A_230 = tpu.vector_load %arg7[%get3A_227, %get3A_228, %get3A_229] {strides = array<i32>} : memref<3x800x32xf32, #tpu.memory_space<vmem>>, vector<1x1x16xf32>,
      %get3A_231 = vector.shape_cast %get3A_230 : vector<1x1x16xf32> to vector<16xf32>
      %add3A_232 = arith.addf %get3A_231, %get3A_150 : vector<16xf32>
      %swap3A_233 = arith.constant 1 : i32
      %swap3A_234 = arith.index_cast %swap3A_233 : i32 to index
      %swap3A_235 = arith.index_cast %add3A_211 : i32 to index
      %swap3A_236 = arith.constant 16 : index
      %swap3A_237 = tpu.vector_load %arg7[%swap3A_234, %swap3A_235, %swap3A_236] {strides = array<i32>} : memref<3x800x32xf32, #tpu.memory_space<vmem>>, vector<1x1x16xf32>,
      %swap3A_238 = vector.shape_cast %swap3A_237 : vector<1x1x16xf32> to vector<16xf32>
      %swap3A_239 = vector.shape_cast %add3A_232 : vector<16xf32> to vector<1x1x16xf32>
      tpu.vector_store %arg7[%swap3A_234, %swap3A_235, %swap3A_236], %swap3A_239 {strides = array<i32>} : memref<3x800x32xf32, #tpu.memory_space<vmem>>, vector<1x1x16xf32>,
      %add3A_240 = arith.constant 600 : i32
      %add3A_241 = arith.addi %add3A_240, %scan3A_143 : i32
      %get3A_242 = arith.constant 1 : i32
      %get3A_243 = arith.index_cast %get3A_242 : i32 to index
      %get3A_244 = arith.index_cast %add3A_241 : i32 to index
      %get3A_245 = arith.constant 0 : index
      %get3A_246 = tpu.vector_load %arg7[%get3A_243, %get3A_244, %get3A_245] {strides = array<i32>} : memref<3x800x32xf32, #tpu.memory_space<vmem>>, vector<1x1x16xf32>,
      %get3A_247 = vector.shape_cast %get3A_246 : vector<1x1x16xf32> to vector<16xf32>
      %add3A_248 = arith.addf %get3A_247, %get3A_146 : vector<16xf32>
      %swap3A_249 = arith.constant 1 : i32
      %swap3A_250 = arith.index_cast %swap3A_249 : i32 to index
      %swap3A_251 = arith.index_cast %add3A_241 : i32 to index
      %swap3A_252 = arith.constant 0 : index
      %swap3A_253 = tpu.vector_load %arg7[%swap3A_250, %swap3A_251, %swap3A_252] {strides = array<i32>} : memref<3x800x32xf32, #tpu.memory_space<vmem>>, vector<1x1x16xf32>,
      %swap3A_254 = vector.shape_cast %swap3A_253 : vector<1x1x16xf32> to vector<16xf32>
      %swap3A_255 = vector.shape_cast %add3A_248 : vector<16xf32> to vector<1x1x16xf32>
      tpu.vector_store %arg7[%swap3A_250, %swap3A_251, %swap3A_252], %swap3A_255 {strides = array<i32>} : memref<3x800x32xf32, #tpu.memory_space<vmem>>, vector<1x1x16xf32>,
      %get3A_256 = arith.constant 1 : i32
      %get3A_257 = arith.index_cast %get3A_256 : i32 to index
      %get3A_258 = arith.index_cast %add3A_241 : i32 to index
      %get3A_259 = arith.constant 16 : index
      %get3A_260 = tpu.vector_load %arg7[%get3A_257, %get3A_258, %get3A_259] {strides = array<i32>} : memref<3x800x32xf32, #tpu.memory_space<vmem>>, vector<1x1x16xf32>,
      %get3A_261 = vector.shape_cast %get3A_260 : vector<1x1x16xf32> to vector<16xf32>
      %add3A_262 = arith.addf %get3A_261, %get3A_150 : vector<16xf32>
      %swap3A_263 = arith.constant 1 : i32
      %swap3A_264 = arith.index_cast %swap3A_263 : i32 to index
      %swap3A_265 = arith.index_cast %add3A_241 : i32 to index
      %swap3A_266 = arith.constant 16 : index
      %swap3A_267 = tpu.vector_load %arg7[%swap3A_264, %swap3A_265, %swap3A_266] {strides = array<i32>} : memref<3x800x32xf32, #tpu.memory_space<vmem>>, vector<1x1x16xf32>,
      %swap3A_268 = vector.shape_cast %swap3A_267 : vector<1x1x16xf32> to vector<16xf32>
      %swap3A_269 = vector.shape_cast %add3A_262 : vector<16xf32> to vector<1x1x16xf32>
      tpu.vector_store %arg7[%swap3A_264, %swap3A_265, %swap3A_266], %swap3A_269 {strides = array<i32>} : memref<3x800x32xf32, #tpu.memory_space<vmem>>, vector<1x1x16xf32>,
    }
    %scan3A_82 = arith.constant 200 : i32
    %add3A_83 = arith.constant 24800 : i32
    %add3A_84 = arith.addi %mul3A_2, %add3A_83 : i32
    %dma_start3A_85 = arith.constant 1 : i32
    %dma_start3A_86 = arith.constant 0 : i32
    %dma_start3A_87 = arith.constant 0 : i32
    %dma_start3A_88 = tpu.memref_slice %arg7[%dma_start3A_85, %dma_start3A_86, %dma_start3A_87] : memref<3x800x32xf32, #tpu.memory_space<vmem>> -> memref<1x800x32xf32, #tpu.memory_space<vmem>>
    %dma_start3A_89 = tpu.memref_squeeze %dma_start3A_88 : memref<1x800x32xf32, #tpu.memory_space<vmem>> -> memref<800x32xf32, #tpu.memory_space<vmem>>
    %dma_start3A_90 = arith.constant 0 : i32
    %dma_start3A_91 = tpu.memref_slice %arg5[%add3A_84, %dma_start3A_90] : memref<819200x32xf32, #tpu.memory_space<hbm>> -> memref<800x32xf32, #tpu.memory_space<hbm>>
    %dma_start3A_92 = arith.constant 0 : i32
    %dma_start3A_93 = tpu.memref_slice %arg5[%add3A_84, %dma_start3A_92] : memref<819200x32xf32, #tpu.memory_space<hbm>> -> memref<800x32xf32, #tpu.memory_space<hbm>>
    %dma_start3A_94 = arith.constant 0 : i32
    %dma_start3A_95 = arith.constant 0 : i32
    %dma_start3A_96 = tpu.memref_slice %arg7[%dma_start3A_85, %dma_start3A_94, %dma_start3A_95] : memref<3x800x32xf32, #tpu.memory_space<vmem>> -> memref<1x800x32xf32, #tpu.memory_space<vmem>>
    %dma_start3A_97 = tpu.memref_squeeze %dma_start3A_96 : memref<1x800x32xf32, #tpu.memory_space<vmem>> -> memref<800x32xf32, #tpu.memory_space<vmem>>
    tpu.enqueue_dma source(%dma_start3A_97 : memref<800x32xf32, #tpu.memory_space<vmem>>) target(%dma_start3A_93 : memref<800x32xf32, #tpu.memory_space<hbm>>) target_semaphore(%arg13 : memref<!tpu.dma_semaphore, #tpu.memory_space<semaphore_mem>>)
    %add3A_98 = arith.constant 0 : i32
    %add3A_99 = arith.addi %mul3A_2, %add3A_98 : i32
    %dma_wait3A_100 = arith.constant 0 : i32
    %dma_wait3A_101 = arith.constant 0 : i32
    %dma_wait3A_102 = arith.constant 0 : i32
    %dma_wait3A_103 = tpu.memref_slice %arg7[%dma_wait3A_100, %dma_wait3A_101, %dma_wait3A_102] : memref<3x800x32xf32, #tpu.memory_space<vmem>> -> memref<1x800x32xf32, #tpu.memory_space<vmem>>
    %dma_wait3A_104 = tpu.memref_squeeze %dma_wait3A_103 : memref<1x800x32xf32, #tpu.memory_space<vmem>> -> memref<800x32xf32, #tpu.memory_space<vmem>>
    %dma_wait3A_105 = arith.constant 0 : i32
    %dma_wait3A_106 = tpu.memref_slice %arg5[%add3A_99, %dma_wait3A_105] : memref<819200x32xf32, #tpu.memory_space<hbm>> -> memref<800x32xf32, #tpu.memory_space<hbm>>
    %dma_wait3A_107 = arith.constant 0 : i32
    %dma_wait3A_108 = tpu.memref_slice %arg5[%add3A_99, %dma_wait3A_107] : memref<819200x32xf32, #tpu.memory_space<hbm>> -> memref<800x32xf32, #tpu.memory_space<hbm>>
    %dma_wait3A_109 = arith.constant 0 : i32
    %dma_wait3A_110 = arith.constant 0 : i32
    %dma_wait3A_111 = tpu.memref_slice %arg7[%dma_wait3A_100, %dma_wait3A_109, %dma_wait3A_110] : memref<3x800x32xf32, #tpu.memory_space<vmem>> -> memref<1x800x32xf32, #tpu.memory_space<vmem>>
    %dma_wait3A_112 = tpu.memref_squeeze %dma_wait3A_111 : memref<1x800x32xf32, #tpu.memory_space<vmem>> -> memref<800x32xf32, #tpu.memory_space<vmem>>
    tpu.wait_dma2 semaphore(%arg12 : memref<!tpu.dma_semaphore, #tpu.memory_space<semaphore_mem>>) src(%dma_wait3A_112 : memref<800x32xf32, #tpu.memory_space<vmem>>) dst(%dma_wait3A_108 : memref<800x32xf32, #tpu.memory_space<hbm>>)
    %add3A_113 = arith.constant 0 : i32
    %add3A_114 = arith.addi %mul3A_2, %add3A_113 : i32
    %dma_wait3A_115 = arith.constant 1 : i32
    %dma_wait3A_116 = arith.constant 0 : i32
    %dma_wait3A_117 = arith.constant 0 : i32
    %dma_wait3A_118 = tpu.memref_slice %arg7[%dma_wait3A_115, %dma_wait3A_116, %dma_wait3A_117] : memref<3x800x32xf32, #tpu.memory_space<vmem>> -> memref<1x800x32xf32, #tpu.memory_space<vmem>>
    %dma_wait3A_119 = tpu.memref_squeeze %dma_wait3A_118 : memref<1x800x32xf32, #tpu.memory_space<vmem>> -> memref<800x32xf32, #tpu.memory_space<vmem>>
    %dma_wait3A_120 = arith.constant 0 : i32
    %dma_wait3A_121 = tpu.memref_slice %arg5[%add3A_114, %dma_wait3A_120] : memref<819200x32xf32, #tpu.memory_space<hbm>> -> memref<800x32xf32, #tpu.memory_space<hbm>>
    %dma_wait3A_122 = arith.constant 0 : i32
    %dma_wait3A_123 = tpu.memref_slice %arg5[%add3A_114, %dma_wait3A_122] : memref<819200x32xf32, #tpu.memory_space<hbm>> -> memref<800x32xf32, #tpu.memory_space<hbm>>
    %dma_wait3A_124 = arith.constant 0 : i32
    %dma_wait3A_125 = arith.constant 0 : i32
    %dma_wait3A_126 = tpu.memref_slice %arg7[%dma_wait3A_115, %dma_wait3A_124, %dma_wait3A_125] : memref<3x800x32xf32, #tpu.memory_space<vmem>> -> memref<1x800x32xf32, #tpu.memory_space<vmem>>
    %dma_wait3A_127 = tpu.memref_squeeze %dma_wait3A_126 : memref<1x800x32xf32, #tpu.memory_space<vmem>> -> memref<800x32xf32, #tpu.memory_space<vmem>>
    tpu.wait_dma2 semaphore(%arg13 : memref<!tpu.dma_semaphore, #tpu.memory_space<semaphore_mem>>) src(%dma_wait3A_127 : memref<800x32xf32, #tpu.memory_space<vmem>>) dst(%dma_wait3A_123 : memref<800x32xf32, #tpu.memory_space<hbm>>)
    %add3A_128 = arith.constant 0 : i32
    %add3A_129 = arith.addi %mul3A_2, %add3A_128 : i32
    %dma_wait3A_130 = arith.constant 2 : i32
    %dma_wait3A_131 = arith.constant 0 : i32
    %dma_wait3A_132 = arith.constant 0 : i32
    %dma_wait3A_133 = tpu.memref_slice %arg7[%dma_wait3A_130, %dma_wait3A_131, %dma_wait3A_132] : memref<3x800x32xf32, #tpu.memory_space<vmem>> -> memref<1x800x32xf32, #tpu.memory_space<vmem>>
    %dma_wait3A_134 = tpu.memref_squeeze %dma_wait3A_133 : memref<1x800x32xf32, #tpu.memory_space<vmem>> -> memref<800x32xf32, #tpu.memory_space<vmem>>
    %dma_wait3A_135 = arith.constant 0 : i32
    %dma_wait3A_136 = tpu.memref_slice %arg5[%add3A_129, %dma_wait3A_135] : memref<819200x32xf32, #tpu.memory_space<hbm>> -> memref<800x32xf32, #tpu.memory_space<hbm>>
    %dma_wait3A_137 = arith.constant 0 : i32
    %dma_wait3A_138 = tpu.memref_slice %arg5[%add3A_129, %dma_wait3A_137] : memref<819200x32xf32, #tpu.memory_space<hbm>> -> memref<800x32xf32, #tpu.memory_space<hbm>>
    %dma_wait3A_139 = arith.constant 0 : i32
    %dma_wait3A_140 = arith.constant 0 : i32
    %dma_wait3A_141 = tpu.memref_slice %arg7[%dma_wait3A_130, %dma_wait3A_139, %dma_wait3A_140] : memref<3x800x32xf32, #tpu.memory_space<vmem>> -> memref<1x800x32xf32, #tpu.memory_space<vmem>>
    %dma_wait3A_142 = tpu.memref_squeeze %dma_wait3A_141 : memref<1x800x32xf32, #tpu.memory_space<vmem>> -> memref<800x32xf32, #tpu.memory_space<vmem>>
    tpu.wait_dma2 semaphore(%arg14 : memref<!tpu.dma_semaphore, #tpu.memory_space<semaphore_mem>>) src(%dma_wait3A_142 : memref<800x32xf32, #tpu.memory_space<vmem>>) dst(%dma_wait3A_138 : memref<800x32xf32, #tpu.memory_space<hbm>>)
    return
  }
}

</mosaic_0001>

<sc_bundles>
// kernel: kernel.3.cloned.1.call-start
scs
__scs_entry_jumppad:
0x0: {  	(pc) =	sbr.rel $0x88, $3  }
0x1: {  	(tag) =	ssettag $0x0;
	lr =	simm.s32 $0x1  }
0x2: {  	[smem:$0x3F9E] =	sst lr;
	_ =	strace $0xD0000000  }
0x3: {  	_ = 	snop  }
0x4: {  	_ = 	snop  }
0x5: {  	_ = 	snop  }
0x6: {  	_ = 	snop  }
0x7: {  	_ = 	snop  }
__scs_overlays_trampoline_lowered:
0x8: {  	[smem:$0x3FAD] =	sst s0  }
0x9: {  	[smem:$0x3FAE] =	sst s1  }
0xa: {  	[smem:$0x3FAF] =	sst s2  }
0xb: {  	[smem:$0x3FB0] =	sst s3  }
0xc: {  	[smem:$0x3FB1] =	sst s4  }
0xd: {  	[smem:$0x3FB2] =	sst s5  }
0xe: {  	[smem:$0x3FB3] =	sst s6  }
0xf: {  	[smem:$0x3FB4] =	sst s7  }
0x10: {  	[smem:$0x3FB5] =	sst s8  }
0x11: {  	[smem:$0x3FB6] =	sst s9;
	s0 =	simm.s32 @!p0 $0x0  }
0x12: {  	s1 =	sld [smem:$0x3F9C];
	s0 =	simm.s32 @p0 $0x1  }
0x13: {  	[smem:$0x3FB7] =	sst s0;
	s0 =	simm.s32 @!p1 $0x0  }
0x14: {  	s2 =	sld [smem:$0x3F9B];
	s0 =	simm.s32 @p1 $0x1  }
0x15: {  	[smem:$0x3FB8] =	sst s0;
	s0 =	simm.s32 @!p2 $0x0  }
0x16: {  	s3 =	sld [smem:$0x3FDB];
	s0 =	simm.s32 @p2 $0x1  }
0x17: {  	s4 =	simm.s32 $0x1BF5;
	[smem:$0x3FBA] =	sst s0  }
0x18: {  	s0 =	sld [smem:$0x3F9D];
	_ =	swait.ge [sflag:s4], $0x0  }
0x19: {  	s7 =	sld [smem:$0x3F9E]  }
0x1a: {  	s8 =	sadd.s32 $0xFFFFE003, lr  }
0x1b: {  	s9 =	sadd.s32 $0xFFFFFEF7, lr;
	s5 =	simm.s32 $0xFFFFFFFF;
	p2 =	slt.u32 s8, $0xFFFFF086  }
0x1c: {  	p1 =	slt.u32 s9, $0xF7A;
	s5 =	simm.s32 @!p2 $0x0  }
0x1d: {  	s5 =	simm.s32 @p1 $0x1;
	p0 =	seq.s32 s7, s2  }
0x1e: {  	s7 =	smul.u32 @!p0 $0xF7A, s2;
	p2 =	seq.s32 @!p0 s5, $0x0  }
0x1f: {  	s9 =	smul.u32 $0xF7A, s1;
	s8 =	simm.s32 @!p0 $0x1BF5;
	p2 =	por !p2, p0  }
0x20: {  	[sflag:s8] =	ssyncset.s32 @!p0 $0xFFFFF086;
	s6 =	sadd.s32 @!p0 s3, s7;
	s7 =	simm.s32 @!p0 $0x108  }
0x21: {  	s3 =	sadd.s32 s3, s9;
	s6 =	sadd.s32 @!p0 $0x88, s6;
	s7 =	simm.s32 @p2 $0x1082  }
0x22: {  	[simem:s7], [sflag:s8] =	dma.local @!p0 [hbm:s6], $0xF7A  }
0x23: {  	s9 =	sor.u32 $0xD0000000, s2;
	s6 =	simm.s32 $0x108;
	_ =	swait.ge @!p0 [sflag:s8], $0x0  }
0x24: {  	s3 =	sadd.s32 $0x88, s3;
	s6 =	simm.s32 @!p1 $0x1082;
	[sflag:s4] =	ssyncset.s32 $0xFFFFF086  }
0x25: {  	[simem:s6], [sflag:s4] =	dma.local [hbm:s3], $0xF7A  }
0x26: {  	[smem:$0x3F9E] =	sst s1;
	(tag) =	ssettag s2;
	_ =	strace s9  }
0x27: {  	s1 =	sld [smem:$0x3FAE]  }
0x28: {  	s2 =	sld [smem:$0x3FAF]  }
0x29: {  	s4 =	sld [smem:$0x3FB1]  }
0x2a: {  	p0 =	seq.s32 s5, $0x0;
	s5 =	sld [smem:$0x3FB2]  }
0x2b: {  	s6 =	sld [smem:$0x3FB3]  }
0x2c: {  	s7 =	sld [smem:$0x3FB4]  }
0x2d: {  	s3 =	simm.s32 $0x108;
	s8 =	sld [smem:$0x3FB5]  }
0x2e: {  	s3 =	simm.s32 @!p0 $0x1082;
	s9 =	sld [smem:$0x3FB6]  }
0x2f: {  	lr =	sadd.s32 s0, s3;
	s0 =	sld [smem:$0x3FAD]  }
0x30: {  	s3 =	sld [smem:$0x3FB0]  }
0x31: {  	[smem:$0x3FB9] =	sst s10  }
0x32: {  	s10 =	sld [smem:$0x3FB7];
	_ =	sdelay $0x3  }
0x33: {  	p0 =	seq.s32 s10, $0x1;
	s10 =	sld [smem:$0x3FB9];
	_ =	sdelay $0x3  }
0x34: {  	[smem:$0x3FB9] =	sst s10  }
0x35: {  	s10 =	sld [smem:$0x3FB8];
	_ =	sdelay $0x3  }
0x36: {  	p1 =	seq.s32 s10, $0x1;
	s10 =	sld [smem:$0x3FB9];
	_ =	sdelay $0x3  }
0x37: {  	[smem:$0x3FB9] =	sst s10  }
0x38: {  	s10 =	sld [smem:$0x3FBA]  }
0x39: {  	_ = 	snop;
	(pc) =	sbr.ind lr, $3  }
0x3a: {  	_ = 	snop  }
0x3b: {  	_ = 	snop  }
0x3c: {  	p2 =	seq.s32 s10, $0x1;
	s10 =	sld [smem:$0x3FB9]  }
0x3d: {  	_ =	shalt  }
0x3e: {  	_ =	shalt  }
0x3f: {  	_ =	shalt  }
0x40: {  	_ =	shalt  }
0x41: {  	_ =	shalt  }
0x42: {  	_ =	shalt  }
0x43: {  	_ =	shalt  }
0x44: {  	_ =	shalt  }
0x45: {  	_ =	shalt  }
0x46: {  	_ =	shalt  }
0x47: {  	_ =	shalt  }
0x48: {  	_ =	shalt  }
0x49: {  	_ =	shalt  }
0x4a: {  	_ =	shalt  }
0x4b: {  	_ =	shalt  }
0x4c: {  	_ =	shalt  }
0x4d: {  	_ =	shalt  }
0x4e: {  	_ =	shalt  }
0x4f: {  	_ =	shalt  }
0x50: {  	_ =	shalt  }
0x51: {  	_ =	shalt  }
0x52: {  	_ =	shalt  }
0x53: {  	_ =	shalt  }
0x54: {  	_ =	shalt  }
0x55: {  	_ =	shalt  }
0x56: {  	_ =	shalt  }
0x57: {  	_ =	shalt  }
0x58: {  	_ =	shalt  }
0x59: {  	_ =	shalt  }
0x5a: {  	_ =	shalt  }
0x5b: {  	_ =	shalt  }
0x5c: {  	_ =	shalt  }
0x5d: {  	_ =	shalt  }
0x5e: {  	_ =	shalt  }
0x5f: {  	_ =	shalt  }
0x60: {  	_ =	shalt  }
0x61: {  	_ =	shalt  }
0x62: {  	_ =	shalt  }
0x63: {  	_ =	shalt  }
0x64: {  	_ =	shalt  }
0x65: {  	_ =	shalt  }
0x66: {  	_ =	shalt  }
0x67: {  	_ =	shalt  }
0x68: {  	_ =	shalt  }
0x69: {  	_ =	shalt  }
0x6a: {  	_ =	shalt  }
0x6b: {  	_ =	shalt  }
0x6c: {  	_ =	shalt  }
0x6d: {  	_ =	shalt  }
0x6e: {  	_ =	shalt  }
0x6f: {  	_ =	shalt  }
0x70: {  	_ =	shalt  }
0x71: {  	_ =	shalt  }
0x72: {  	_ =	shalt  }
0x73: {  	_ =	shalt  }
0x74: {  	_ =	shalt  }
0x75: {  	_ =	shalt  }
0x76: {  	_ =	shalt  }
0x77: {  	_ =	shalt  }
0x78: {  	_ =	shalt  }
0x79: {  	_ =	shalt  }
0x7a: {  	_ =	shalt  }
0x7b: {  	_ =	shalt  }
0x7c: {  	_ =	shalt  }
0x7d: {  	_ =	shalt  }
0x7e: {  	_ =	shalt  }
0x7f: {  	_ =	shalt  }
0x80: {  	_ =	shalt  }
0x81: {  	_ =	shalt  }
0x82: {  	_ =	shalt  }
0x83: {  	_ =	shalt  }
0x84: {  	_ =	shalt  }
0x85: {  	_ =	shalt  }
0x86: {  	_ =	shalt  }
0x87: {  	_ =	shalt  }
.Lfunc_end0:
.L_simem_size_0:
called_computation.1_lowered:
.L_overlay_start_0:
0x88: {  	s2 =	sld [smem:$0x3FD9]  }
0x89: {  	s3 =	sld [smem:$0x3FFE];
	_ =	sdelay $0x1  }
0x8a: {  	s1 =	srdreg.scid  }
0x8b: {  	s0 =	sand.u32 $0x1, s1  }
0x8c: {  	s17 =	sshll.u32 s0, $0xA;
	s2 =	sadd.s32 s3, s2  }
0x8d: {  	s2 =	sadd.s32 s2, s17  }
0x8e: {  	[smem:$0x3FC5] =	sst s2  }
0x8f: {  	_ = 	snop  }
0x90: {  	s2 =	sld [smem:$0x3FD0];
	(tm) =	ssettm $0x1  }
0x91: {  	s18 =	sld [smem:$0x3FFB];
	_ =	sdelay $0x3  }
0x92: {  	_ =	strace s18  }
0x93: {  	s3 =	sld [smem:$0x3FFC];
	_ =	sdelay $0x3  }
0x94: {  	_ =	strace s3  }
0x95: {  	s3 =	sld [smem:$0x3FFD];
	_ =	sdelay $0x3  }
0x96: {  	_ =	strace s3  }
0x97: {  	_ =	strace $0x8FFFFFFF  }
0x98: {  	s19 =	sld [smem:$0x3FDB];
	_ =	sdelay $0x1  }
0x99: {  	s4 =	simm.s32 $_scs_section_size  }
0x9a: {  	s5 =	simm.s32 $_size__tile_overlayer_lowered;
	s6 =	simm.s32 $_tile_overlayer_lowered  }
0x9b: {  	s22 =	simm.s32 $0x1BFF;
	s21 =	sshll.u32 s6, $0x1;
	s3 =	sadd.s32 s4, s19  }
0x9c: {  	s7 =	simm.s32 $0x0;
	s20 =	sshll.u32 s5, $0x1;
	s5 =	sadd.s32 s21, s3  }
0x9d: {  	[timem:s7], [sflag:s22] =	dma.local [hbm:s5], s20  }
0x9e: {  	_ =	swait.ge [sflag:s22], s20  }
0x9f: {  	s4 =	ssub.s32 $0x0, s20;
	[sflag:s22] =	ssyncset.done $0x0  }
0xa0: {  	[sflag:s22] =	ssyncadd.s32 s4;
	_ =	sdelay $0x1  }
0xa1: {  	s23 =	simm.s32 $0x1B8B  }
0xa2: {  	_ =	swait.ge [sflag:s23], $0x1  }
0xa3: {  	[sflag:s23] =	ssyncset.done $0x0  }
0xa4: {  	s25 =	simm.s32 $0x1B8E;
	s24 =	sld [smem:$0x3FFE];
	[sflag:s23] =	ssyncadd.s32 $0xFFFFFFFF  }
0xa5: {  	s26 =	simm.s32 $execute0_lowered;
	[smem:$0x3FD2] =	sst s25  }
0xa6: {  	s5 =	sshll.u32 s26, $0x1;
	_ =	strace $0x80000046;
	[dreg:$0x1] =	wrdreg $0xFFFFFFFF  }
0xa7: {  	s28 =	simm.s32 $_size_execute0_lowered;
	s3 =	sadd.s32 s3, s5;
	[dreg:$0x0] =	wrdreg $0x0  }
0xa8: {  	s5 =	sshll.u32 s28, $0x1;
	[dreg:$0x2] =	wrdreg s3  }
0xa9: {  	[dreg:$0x3] =	wrdreg s5  }
0xaa: {  	[dreg:$0x4] =	wrdreg $0xC0  }
0xab: {  	_ =	task [dreg:s7], $0x5FFFF  }
0xac: {  	[dreg:$0x1] =	wrdreg $0xFFFFFFFF  }
0xad: {  	[dreg:$0x0] =	wrdreg $0x60  }
0xae: {  	[dreg:$0x2] =	wrdreg s24  }
0xaf: {  	[dreg:$0x3] =	wrdreg s2  }
0xb0: {  	[dreg:$0x4] =	wrdreg $0x9  }
0xb1: {  	_ =	task.clear_ibuf [dreg:s7], $0x5FFFF;
	_ =	strace $0x90000046  }
0xb2: {  	s29 =	simm.s32 $0x9;
	_ =	strace $0x80000048  }
0xb3: {  	_ =	swait.ge [sflag:s29], $0x1  }
0xb4: {  	[sflag:s29] =	ssyncadd.s32 $0xFFFFFFFF  }
0xb5: {  	_ =	strace $0x90000048  }
0xb6: {  	_ =	sfence  }
0xb7: {  	s30 =	sld [smem:$0x0];
	_ =	sdelay $0x2  }
0xb8: {  	s31 =	sshll.u32 s1, $0xD;
	s1 =	sshrl.u32 s1, $0x2  }
0xb9: {  	s3 =	sand.u32 $0x4000, s31;
	s1 =	sadd.s32 s1, s30  }
0xba: {  	s0 =	sor.u32 s3, s0;
	s1 =	sshll.u32 s1, $0x11  }
0xbb: {  	s0 =	sor.u32 s1, s0  }
0xbc: {  	s0 =	sadd.s32 $0x8F2B, s0  }
0xbd: {  	[sflag:s0] =	ssyncadd.remote.s32 $0x1  }
0xbe: {  	_ =	sfence.sel $0xFFFF  }
0xbf: {  	[dreg:$0x0] =	wrdreg $0xFFFFFFFF;
	(pc) =	sbr.abs _section_cstart, $3  }
0xc0: {  	[dreg:$0x1] =	wrdreg $0xFFFFFFFF  }
0xc1: {  	_ =	task.clear_ibuf [dreg:s7], $0x2FFFF;
	_ =	strace $0x9FFFFFFF  }
0xc2: {  	(tm) =	ssettm $0x7FFFFFFF  }
0xc3: {  	_ =	shalt  }
tec
execute0_lowered:
.L_overlay_start_1:
0x0: {  	(tag) =	ssettag $0x1  }
0x1: {  	s0 =	srdreg.scid;
	s2 =	stileid.u32  }
0x2: {  	s1 =	rddreg [dreg:$0x0];
	s14 =	simm.s32 $0x8;
	s15 =	simm.s32 $0x320  }
0x3: {  	s16 =	simm.s32 $0x6400;
	s17 =	simm.s32 $0xC800;
	s18 =	simm.s32 $0x640  }
0x4: {  	s19 =	simm.s32 $0x12C00;
	s20 =	simm.s32 $0x7;
	s21 =	simm.s32 $0x1  }
0x5: {  	s22 =	simm.s32 $0x4;
	s23 =	simm.s32 $0x2;
	s24 =	simm.s32 $0x5  }
0x6: {  	s25 =	simm.s32 $0x3;
	s0 =	sand.u32 $0x1, s0;
	s3 =	sshll.u32 s2, $0x1  }
0x7: {  	s26 =	simm.s32 $0x6;
	s28 =	simm.s32 $0x0;
	s5 =	sor.u32 s0, s3  }
0x8: {  	s2 =	rddreg [dreg:$0x1];
	s3 =	simm.s32 $0x0;
	s4 =	smul.u32 $0x6400, s5  }
0x9: {  	s0 =	ssub.s32 $0x2, s0;
	[smem:$0x7FF] =	sst s3;
	s8 =	smul.u32 $0xC8000, s5  }
0xa: {  	s5 =	sadd.s32 $0xF43000, s1;
	s30 =	sshrl.u32 s0, $0x1;
	_ =	strace $0x80000047  }
0xb: {  	s0 =	ssub.s32 s0, s30;
	s6 =	sshrl.u32 s4, $0x3;
	s31 =	sshrl.u32 s8, $0x3  }
0xc: {  	s8 =	sor.u32 $0x320, s4;
	s9 =	sadd.s32 $0x640, s4;
	s12 =	smax.u32 s0, $0x1  }
0xd: {  	s7 =	sadd.s32 s6, s1;
	s6 =	sadd.s32 $0x19C00, s1;
	s1 =	sadd.s32 s2, s31  }
0xe: {  	s7 =	sadd.s32 $0xC00, s7;
	s10 =	sadd.s32 $0x17700, s1;
	s11 =	sadd.s32 $0x18380, s1  }
.LBB2_1:
0xf: {  	s0 =	simm.s32 $0x19000  }
0x10: {  	[tilespmem:s0], [sflag:$0x7] =	stream.linear.gather [hbm4b:s6+s3], $0x1900, $0x38;
	[tilespmem:$0x1A900] =	vst v63  }
0x11: {  	_ = 	snop  }
0x12: {  	[tilespmem:s3], [sflag:$0x8] =	stream.linear.gather [hbm4b:s7+s3], $0x6400, $0x38;
	[tilespmem:$0x1A900] =	vst v63  }
0x13: {  	_ =	swait.ge [sflag:s14], $0x6400  }
0x14: {  	[sflag:s14] =	ssyncset.done $0x0  }
0x15: {  	[sflag:s14] =	ssyncadd.s32 $0xFFFF9C00  }
0x16: {  	[tilespmem:s16], [sflag:$0x1] =	stream.indirect.gather [hbm4b:s5+s15], $0x20, s3, s15, $0xb8;
	[tilespmem:$0x1A900] =	vst v63  }
0x17: {  	_ = 	snop  }
0x18: {  	[tilespmem:s17], [sflag:$0x2] =	stream.indirect.gather [hbm4b:s5+s15], $0x20, s15, s15, $0xb8;
	[tilespmem:$0x1A900] =	vst v63  }
0x19: {  	_ = 	snop  }
0x1a: {  	[tilespmem:s19], [sflag:$0x3] =	stream.indirect.gather [hbm4b:s5+s15], $0x20, s18, s15, $0xb8;
	[tilespmem:$0x1A900] =	vst v63  }
0x1b: {  	_ =	swait.ge [sflag:s20], $0x1900  }
0x1c: {  	[sflag:s20] =	ssyncset.done $0x0  }
0x1d: {  	s29 =	simm.s32 $0x0;
	[sflag:s20] =	ssyncadd.s32 $0xFFFFE700  }
.LBB2_2:
0x1e: {  	_ =	swait.ge [sflag:s21], $0x6400  }
0x1f: {  	[sflag:s21] =	ssyncset.done $0x0  }
0x20: {  	s30 =	simm.s32 $0x0;
	[sflag:s21] =	ssyncadd.s32 $0xFFFF9C00  }
0x21: {  	v1 =	vld [tilespmem:s30+$0x19000]  }
0x22: {  	v0 =	vld [tilespmem:s30+$0x19010]  }
0x23: {  	v3 =	vld [tilespmem:s30+$0x6400]  }
0x24: {  	v7 =	vld [tilespmem:s30+$0x6410]  }
0x25: {  	v6 =	vld [tilespmem:s30+$0x7D00]  }
0x26: {  	v4 =	vld [tilespmem:s30+$0x7D10]  }
0x27: {  	v2 =	vld [tilespmem:s30+$0x9600]  }
0x28: {  	v5 =	vld [tilespmem:s30+$0x9610];
	v8 =	vadd.f32 v3, v1  }
0x29: {  	s1 =	simm.s32 $0x80;
	v7 =	vadd.f32 v7, v0;
	v3 =	vld [tilespmem:s30+$0xAF00]  }
.LBB2_3:
0x2a: {  	s0 =	sshra.s32 s1, $0x2;
	p0 =	sne.s32 s1, $0x6380;
	[tilespmem:s30+$0x6400] =	vst v8;
	v6 =	vadd.f32 v6, v1;
	v8 =	vld [tilespmem:s30+$0xAF10]  }
0x2b: {  	v9 =	vld [tilespmem:s0+$0x19000];
	[tilespmem:s30+$0x6410] =	vst v7;
	v4 =	vadd.f32 v4, v0  }
0x2c: {  	v7 =	vld [tilespmem:s0+$0x19010];
	[tilespmem:s30+$0x7D00] =	vst v6;
	v2 =	vadd.f32 v2, v1  }
0x2d: {  	v10 =	vld [tilespmem:s0+$0x6400];
	[tilespmem:s30+$0x7D10] =	vst v4;
	v4 =	vadd.f32 v5, v0  }
0x2e: {  	v11 =	vld [tilespmem:s0+$0x6410];
	[tilespmem:s30+$0x9600] =	vst v2;
	v2 =	vadd.f32 v3, v1  }
.Ltmp0:
0x2f: {  	v6 =	vld [tilespmem:s0+$0x7D00];
	[tilespmem:s30+$0x9610] =	vst v4;
	v3 =	vadd.f32 v8, v0;
	(pc) =	sbr.rel @p0 .LBB2_3-.Ltmp0, $4  }
0x30: {  	v4 =	vld [tilespmem:s0+$0x7D10];
	[tilespmem:s30+$0xAF00] =	vst v2;
	v1 =	vmov v9  }
0x31: {  	v2 =	vld [tilespmem:s0+$0x9600];
	[tilespmem:s30+$0xAF10] =	vst v3;
	v0 =	vmov v7;
	s30 =	smov.u32 s0  }
0x32: {  	v8 =	vadd.f32 v10, v1;
	v5 =	vld [tilespmem:s30+$0x9610]  }
0x33: {  	s1 =	sadd.s32 $0x80, s1;
	v7 =	vadd.f32 v11, v0;
	v3 =	vld [tilespmem:s30+$0xAF00]  }
0x34: {  	[tilespmem:s30+$0x6400] =	vst v8;
	v6 =	vadd.f32 v6, v1;
	v8 =	vld [tilespmem:s30+$0xAF10]  }
0x35: {  	[tilespmem:s30+$0x6410] =	vst v7;
	v4 =	vadd.f32 v4, v0  }
0x36: {  	[tilespmem:s30+$0x7D00] =	vst v6;
	v2 =	vadd.f32 v2, v1  }
0x37: {  	s31 =	smul.u32 $0x960, s29;
	[tilespmem:s30+$0x7D10] =	vst v4;
	v4 =	vadd.f32 v5, v0  }
0x38: {  	[tilespmem:s30+$0x9600] =	vst v2;
	v1 =	vadd.f32 v3, v1  }
0x39: {  	s0 =	sadd.s32 s4, s31;
	[tilespmem:s30+$0x9610] =	vst v4;
	v0 =	vadd.f32 v8, v0  }
0x3a: {  	s0 =	sshll.u32 s0, $0x2;
	[tilespmem:s30+$0xAF00] =	vst v1  }
0x3b: {  	s1 =	simm.s32 $0x0;
	s13 =	smul.u32 $0x2580, s29;
	s0 =	sadd.s32 s2, s0;
	[tilespmem:s30+$0xAF10] =	vst v0  }
0x3c: {  	[hbm4b:s0+s1] =	stream.linear.scatter [tilespmem:s16], [sflag:$0x4], $0x6400, $0x38;
	[tilespmem:$0x1A900] =	vst v63  }
0x3d: {  	_ =	swait.ge [sflag:s22], $0x6400  }
0x3e: {  	s30 =	sshra.s32 s13, $0x2;
	[sflag:s22] =	ssyncset.done $0x0  }
0x3f: {  	s0 =	sadd.s32 $0x960, s30;
	[sflag:s22] =	ssyncadd.s32 $0xFFFF9C00  }
0x40: {  	[tilespmem:s16], [sflag:$0x1] =	stream.indirect.gather [hbm4b:s5+s15], $0x20, s0, s15, $0xb8;
	[tilespmem:$0x1A900] =	vst v63  }
0x41: {  	_ =	swait.ge [sflag:s23], $0x6400  }
0x42: {  	[sflag:s23] =	ssyncset.done $0x0  }
0x43: {  	s1 =	simm.s32 $0x0;
	[sflag:s23] =	ssyncadd.s32 $0xFFFF9C00  }
0x44: {  	v1 =	vld [tilespmem:s1+$0x19000]  }
0x45: {  	v0 =	vld [tilespmem:s1+$0x19010]  }
0x46: {  	v5 =	vld [tilespmem:s1+$0xC800]  }
0x47: {  	v7 =	vld [tilespmem:s1+$0xC810]  }
0x48: {  	v6 =	vld [tilespmem:s1+$0xE100]  }
0x49: {  	v3 =	vld [tilespmem:s1+$0xE110]  }
0x4a: {  	v2 =	vld [tilespmem:s1+$0xFA00]  }
0x4b: {  	v4 =	vld [tilespmem:s1+$0xFA10];
	v8 =	vadd.f32 v5, v1  }
0x4c: {  	s0 =	simm.s32 $0x80;
	v7 =	vadd.f32 v7, v0;
	v5 =	vld [tilespmem:s1+$0x11300]  }
.LBB2_5:
0x4d: {  	s13 =	sshra.s32 s0, $0x2;
	p0 =	sne.s32 s0, $0x6380;
	[tilespmem:s1+$0xC800] =	vst v8;
	v6 =	vadd.f32 v6, v1;
	v8 =	vld [tilespmem:s1+$0x11310]  }
0x4e: {  	v9 =	vld [tilespmem:s13+$0x19000];
	[tilespmem:s1+$0xC810] =	vst v7;
	v3 =	vadd.f32 v3, v0  }
0x4f: {  	v7 =	vld [tilespmem:s13+$0x19010];
	[tilespmem:s1+$0xE100] =	vst v6;
	v2 =	vadd.f32 v2, v1  }
0x50: {  	v10 =	vld [tilespmem:s13+$0xC800];
	[tilespmem:s1+$0xE110] =	vst v3;
	v3 =	vadd.f32 v4, v0  }
0x51: {  	v11 =	vld [tilespmem:s13+$0xC810];
	[tilespmem:s1+$0xFA00] =	vst v2;
	v2 =	vadd.f32 v5, v1  }
.Ltmp1:
0x52: {  	v6 =	vld [tilespmem:s13+$0xE100];
	[tilespmem:s1+$0xFA10] =	vst v3;
	v4 =	vadd.f32 v8, v0;
	(pc) =	sbr.rel @p0 .LBB2_5-.Ltmp1, $4  }
0x53: {  	v3 =	vld [tilespmem:s13+$0xE110];
	[tilespmem:s1+$0x11300] =	vst v2;
	v1 =	vmov v9  }
0x54: {  	v2 =	vld [tilespmem:s13+$0xFA00];
	[tilespmem:s1+$0x11310] =	vst v4;
	v0 =	vmov v7;
	s1 =	smov.u32 s13  }
0x55: {  	v8 =	vadd.f32 v10, v1;
	v4 =	vld [tilespmem:s1+$0xFA10]  }
0x56: {  	s0 =	sadd.s32 $0x80, s0;
	v7 =	vadd.f32 v11, v0;
	v5 =	vld [tilespmem:s1+$0x11300]  }
0x57: {  	[tilespmem:s1+$0xC800] =	vst v8;
	v6 =	vadd.f32 v6, v1;
	v8 =	vld [tilespmem:s1+$0x11310]  }
0x58: {  	[tilespmem:s1+$0xC810] =	vst v7;
	v3 =	vadd.f32 v3, v0  }
0x59: {  	[tilespmem:s1+$0xE100] =	vst v6;
	v2 =	vadd.f32 v2, v1  }
0x5a: {  	[tilespmem:s1+$0xE110] =	vst v3;
	v3 =	vadd.f32 v4, v0  }
0x5b: {  	s0 =	sadd.s32 s31, s8;
	[tilespmem:s1+$0xFA00] =	vst v2;
	v1 =	vadd.f32 v5, v1  }
0x5c: {  	s0 =	sshll.u32 s0, $0x2;
	[tilespmem:s1+$0xFA10] =	vst v3;
	v0 =	vadd.f32 v8, v0  }
0x5d: {  	s0 =	sand.u32 $0x1FFFFF80, s0;
	[tilespmem:s1+$0x11300] =	vst v1  }
0x5e: {  	s13 =	simm.s32 $0x0;
	s0 =	sadd.s32 s2, s0;
	[tilespmem:s1+$0x11310] =	vst v0  }
0x5f: {  	[hbm4b:s0+s13] =	stream.linear.scatter [tilespmem:s17], [sflag:$0x5], $0x6400, $0x38;
	[tilespmem:$0x1A900] =	vst v63  }
0x60: {  	_ =	swait.ge [sflag:s24], $0x6400  }
0x61: {  	[sflag:s24] =	ssyncset.done $0x0  }
0x62: {  	s13 =	sadd.s32 $0xC80, s30;
	[sflag:s24] =	ssyncadd.s32 $0xFFFF9C00  }
0x63: {  	[tilespmem:s17], [sflag:$0x2] =	stream.indirect.gather [hbm4b:s5+s15], $0x20, s13, s15, $0xb8;
	[tilespmem:$0x1A900] =	vst v63  }
0x64: {  	_ =	swait.ge [sflag:s25], $0x6400  }
0x65: {  	[sflag:s25] =	ssyncset.done $0x0  }
0x66: {  	s1 =	simm.s32 $0x0;
	[sflag:s25] =	ssyncadd.s32 $0xFFFF9C00  }
0x67: {  	v1 =	vld [tilespmem:s1+$0x19000]  }
0x68: {  	v0 =	vld [tilespmem:s1+$0x19010]  }
0x69: {  	v5 =	vld [tilespmem:s1+$0x12C00]  }
0x6a: {  	v7 =	vld [tilespmem:s1+$0x12C10]  }
0x6b: {  	v6 =	vld [tilespmem:s1+$0x14500]  }
0x6c: {  	v3 =	vld [tilespmem:s1+$0x14510]  }
0x6d: {  	v2 =	vld [tilespmem:s1+$0x15E00]  }
0x6e: {  	v4 =	vld [tilespmem:s1+$0x15E10];
	v8 =	vadd.f32 v5, v1  }
0x6f: {  	s0 =	simm.s32 $0x80;
	v7 =	vadd.f32 v7, v0;
	v5 =	vld [tilespmem:s1+$0x17700]  }
.LBB2_7:
0x70: {  	s13 =	sshra.s32 s0, $0x2;
	p0 =	sne.s32 s0, $0x6380;
	[tilespmem:s1+$0x12C00] =	vst v8;
	v6 =	vadd.f32 v6, v1;
	v8 =	vld [tilespmem:s1+$0x17710]  }
0x71: {  	v9 =	vld [tilespmem:s13+$0x19000];
	[tilespmem:s1+$0x12C10] =	vst v7;
	v3 =	vadd.f32 v3, v0  }
0x72: {  	v7 =	vld [tilespmem:s13+$0x19010];
	[tilespmem:s1+$0x14500] =	vst v6;
	v2 =	vadd.f32 v2, v1  }
0x73: {  	v10 =	vld [tilespmem:s13+$0x12C00];
	[tilespmem:s1+$0x14510] =	vst v3;
	v3 =	vadd.f32 v4, v0  }
0x74: {  	v11 =	vld [tilespmem:s13+$0x12C10];
	[tilespmem:s1+$0x15E00] =	vst v2;
	v2 =	vadd.f32 v5, v1  }
.Ltmp2:
0x75: {  	v6 =	vld [tilespmem:s13+$0x14500];
	[tilespmem:s1+$0x15E10] =	vst v3;
	v4 =	vadd.f32 v8, v0;
	(pc) =	sbr.rel @p0 .LBB2_7-.Ltmp2, $4  }
0x76: {  	v3 =	vld [tilespmem:s13+$0x14510];
	[tilespmem:s1+$0x17700] =	vst v2;
	v1 =	vmov v9  }
0x77: {  	v2 =	vld [tilespmem:s13+$0x15E00];
	[tilespmem:s1+$0x17710] =	vst v4;
	v0 =	vmov v7;
	s1 =	smov.u32 s13  }
0x78: {  	v8 =	vadd.f32 v10, v1;
	v4 =	vld [tilespmem:s1+$0x15E10]  }
0x79: {  	s0 =	sadd.s32 $0x80, s0;
	v7 =	vadd.f32 v11, v0;
	v5 =	vld [tilespmem:s1+$0x17700]  }
0x7a: {  	[tilespmem:s1+$0x12C00] =	vst v8;
	v6 =	vadd.f32 v6, v1;
	v60 =	vld [tilespmem:s1+$0x17710]  }
0x7b: {  	[tilespmem:s1+$0x12C10] =	vst v7;
	v3 =	vadd.f32 v3, v0  }
0x7c: {  	[tilespmem:s1+$0x14500] =	vst v6;
	v2 =	vadd.f32 v2, v1  }
0x7d: {  	p0 =	seq.s32 s29, $0x9;
	[tilespmem:s1+$0x14510] =	vst v3;
	v61 =	vadd.f32 v4, v0  }
.Ltmp3:
0x7e: {  	s0 =	sadd.s32 s31, s9;
	[tilespmem:s1+$0x15E00] =	vst v2;
	v62 =	vadd.f32 v5, v1;
	(pc) =	sbr.rel @p0 .LBB2_10-.Ltmp3, $4  }
0x7f: {  	s0 =	sshll.u32 s0, $0x2;
	[tilespmem:s1+$0x15E10] =	vst v61;
	v63 =	vadd.f32 v60, v0  }
0x80: {  	s0 =	sand.u32 $0x1FFFFF80, s0;
	[tilespmem:s1+$0x17700] =	vst v62  }
0x81: {  	s0 =	sadd.s32 s2, s0;
	[tilespmem:s1+$0x17710] =	vst v63  }
0x82: {  	[hbm4b:s0+s3] =	stream.linear.scatter [tilespmem:s19], [sflag:$0x6], $0x6400, $0x38;
	[tilespmem:$0x1A900] =	vst v63  }
.Ltmp4:
0x83: {  	(pc) =	sbr.rel .LBB2_2-.Ltmp4, $4  }
0x84: {  	_ =	swait.ge [sflag:s26], $0x6400  }
0x85: {  	[sflag:s26] =	ssyncset.done $0x0  }
0x86: {  	s0 =	sadd.s32 $0xFA0, s30;
	s29 =	sadd.s32 $0x1, s29;
	[sflag:s26] =	ssyncadd.s32 $0xFFFF9C00  }
0x87: {  	[tilespmem:s19], [sflag:$0x3] =	stream.indirect.gather [hbm4b:s5+s15], $0x20, s0, s15, $0xb8;
	[tilespmem:$0x1A900] =	vst v63  }
.LBB2_10:
0x88: {  	_ =	swait.ge [sflag:s21], $0x6400  }
0x89: {  	[sflag:s21] =	ssyncset.done $0x0  }
0x8a: {  	s1 =	simm.s32 $0x0;
	[sflag:s21] =	ssyncadd.s32 $0xFFFF9C00  }
0x8b: {  	v1 =	vld [tilespmem:s1+$0x19000]  }
0x8c: {  	v0 =	vld [tilespmem:s1+$0x19010]  }
0x8d: {  	v5 =	vld [tilespmem:s1+$0x6400]  }
0x8e: {  	v7 =	vld [tilespmem:s1+$0x6410]  }
0x8f: {  	v6 =	vld [tilespmem:s1+$0x7D00]  }
0x90: {  	v3 =	vld [tilespmem:s1+$0x7D10]  }
0x91: {  	v2 =	vld [tilespmem:s1+$0x9600]  }
0x92: {  	v4 =	vld [tilespmem:s1+$0x9610];
	v8 =	vadd.f32 v5, v1  }
0x93: {  	s0 =	simm.s32 $0x80;
	v7 =	vadd.f32 v7, v0;
	v5 =	vld [tilespmem:s1+$0xAF00]  }
.LBB2_11:
0x94: {  	s13 =	sshra.s32 s0, $0x2;
	p0 =	sne.s32 s0, $0x6380;
	[tilespmem:s1+$0x6400] =	vst v8;
	v6 =	vadd.f32 v6, v1;
	v8 =	vld [tilespmem:s1+$0xAF10]  }
0x95: {  	v9 =	vld [tilespmem:s13+$0x19000];
	[tilespmem:s1+$0x6410] =	vst v7;
	v3 =	vadd.f32 v3, v0  }
0x96: {  	v7 =	vld [tilespmem:s13+$0x19010];
	[tilespmem:s1+$0x7D00] =	vst v6;
	v2 =	vadd.f32 v2, v1  }
0x97: {  	v10 =	vld [tilespmem:s13+$0x6400];
	[tilespmem:s1+$0x7D10] =	vst v3;
	v3 =	vadd.f32 v4, v0  }
0x98: {  	v11 =	vld [tilespmem:s13+$0x6410];
	[tilespmem:s1+$0x9600] =	vst v2;
	v2 =	vadd.f32 v5, v1  }
.Ltmp5:
0x99: {  	v6 =	vld [tilespmem:s13+$0x7D00];
	[tilespmem:s1+$0x9610] =	vst v3;
	v4 =	vadd.f32 v8, v0;
	(pc) =	sbr.rel @p0 .LBB2_11-.Ltmp5, $4  }
0x9a: {  	v3 =	vld [tilespmem:s13+$0x7D10];
	[tilespmem:s1+$0xAF00] =	vst v2;
	v1 =	vmov v9  }
0x9b: {  	v2 =	vld [tilespmem:s13+$0x9600];
	[tilespmem:s1+$0xAF10] =	vst v4;
	v0 =	vmov v7;
	s1 =	smov.u32 s13  }
0x9c: {  	v8 =	vadd.f32 v10, v1;
	v4 =	vld [tilespmem:s1+$0x9610]  }
0x9d: {  	s0 =	sadd.s32 $0x80, s0;
	v7 =	vadd.f32 v11, v0;
	v5 =	vld [tilespmem:s1+$0xAF00]  }
0x9e: {  	[tilespmem:s1+$0x6400] =	vst v8;
	v6 =	vadd.f32 v6, v1;
	v8 =	vld [tilespmem:s1+$0xAF10]  }
0x9f: {  	[tilespmem:s1+$0x6410] =	vst v7;
	v3 =	vadd.f32 v3, v0  }
0xa0: {  	[tilespmem:s1+$0x7D00] =	vst v6;
	v2 =	vadd.f32 v2, v1  }
0xa1: {  	[tilespmem:s1+$0x7D10] =	vst v3;
	v3 =	vadd.f32 v4, v0  }
0xa2: {  	[tilespmem:s1+$0x9600] =	vst v2;
	v1 =	vadd.f32 v5, v1  }
0xa3: {  	[tilespmem:s1+$0x9610] =	vst v3;
	v0 =	vadd.f32 v8, v0  }
0xa4: {  	[tilespmem:s1+$0xAF00] =	vst v1  }
0xa5: {  	s0 =	simm.s32 $0x0;
	[tilespmem:s1+$0xAF10] =	vst v0  }
0xa6: {  	[hbm4b:s10+s0] =	stream.linear.scatter [tilespmem:s16], [sflag:$0x4], $0x6400, $0x38;
	[tilespmem:$0x1A900] =	vst v63  }
0xa7: {  	_ =	swait.ge [sflag:s23], $0x6400  }
0xa8: {  	[sflag:s23] =	ssyncset.done $0x0  }
0xa9: {  	s1 =	simm.s32 $0x0;
	[sflag:s23] =	ssyncadd.s32 $0xFFFF9C00  }
0xaa: {  	v1 =	vld [tilespmem:s1+$0x19000]  }
0xab: {  	v0 =	vld [tilespmem:s1+$0x19010]  }
0xac: {  	v5 =	vld [tilespmem:s1+$0xC800]  }
0xad: {  	v7 =	vld [tilespmem:s1+$0xC810]  }
0xae: {  	v6 =	vld [tilespmem:s1+$0xE100]  }
0xaf: {  	v3 =	vld [tilespmem:s1+$0xE110]  }
0xb0: {  	v2 =	vld [tilespmem:s1+$0xFA00]  }
0xb1: {  	v4 =	vld [tilespmem:s1+$0xFA10];
	v8 =	vadd.f32 v5, v1  }
0xb2: {  	s0 =	simm.s32 $0x80;
	v7 =	vadd.f32 v7, v0;
	v5 =	vld [tilespmem:s1+$0x11300]  }
.LBB2_13:
0xb3: {  	s13 =	sshra.s32 s0, $0x2;
	p0 =	sne.s32 s0, $0x6380;
	[tilespmem:s1+$0xC800] =	vst v8;
	v6 =	vadd.f32 v6, v1;
	v8 =	vld [tilespmem:s1+$0x11310]  }
0xb4: {  	v9 =	vld [tilespmem:s13+$0x19000];
	[tilespmem:s1+$0xC810] =	vst v7;
	v3 =	vadd.f32 v3, v0  }
0xb5: {  	v7 =	vld [tilespmem:s13+$0x19010];
	[tilespmem:s1+$0xE100] =	vst v6;
	v2 =	vadd.f32 v2, v1  }
0xb6: {  	v10 =	vld [tilespmem:s13+$0xC800];
	[tilespmem:s1+$0xE110] =	vst v3;
	v3 =	vadd.f32 v4, v0  }
0xb7: {  	v11 =	vld [tilespmem:s13+$0xC810];
	[tilespmem:s1+$0xFA00] =	vst v2;
	v2 =	vadd.f32 v5, v1  }
.Ltmp6:
0xb8: {  	v6 =	vld [tilespmem:s13+$0xE100];
	[tilespmem:s1+$0xFA10] =	vst v3;
	v4 =	vadd.f32 v8, v0;
	(pc) =	sbr.rel @p0 .LBB2_13-.Ltmp6, $4  }
0xb9: {  	v3 =	vld [tilespmem:s13+$0xE110];
	[tilespmem:s1+$0x11300] =	vst v2;
	v1 =	vmov v9  }
0xba: {  	v2 =	vld [tilespmem:s13+$0xFA00];
	[tilespmem:s1+$0x11310] =	vst v4;
	v0 =	vmov v7;
	s1 =	smov.u32 s13  }
0xbb: {  	v8 =	vadd.f32 v10, v1;
	v4 =	vld [tilespmem:s1+$0xFA10]  }
0xbc: {  	s0 =	sadd.s32 $0x80, s0;
	v7 =	vadd.f32 v11, v0;
	v5 =	vld [tilespmem:s1+$0x11300]  }
0xbd: {  	[tilespmem:s1+$0xC800] =	vst v8;
	v6 =	vadd.f32 v6, v1;
	v60 =	vld [tilespmem:s1+$0x11310]  }
0xbe: {  	[tilespmem:s1+$0xC810] =	vst v7;
	v3 =	vadd.f32 v3, v0  }
0xbf: {  	[tilespmem:s1+$0xE100] =	vst v6;
	v2 =	vadd.f32 v2, v1  }
0xc0: {  	[tilespmem:s1+$0xE110] =	vst v3;
	v61 =	vadd.f32 v4, v0  }
0xc1: {  	[tilespmem:s1+$0xFA00] =	vst v2;
	v62 =	vadd.f32 v5, v1  }
0xc2: {  	[tilespmem:s1+$0xFA10] =	vst v61;
	v63 =	vadd.f32 v60, v0  }
0xc3: {  	[tilespmem:s1+$0x11300] =	vst v62  }
0xc4: {  	[tilespmem:s1+$0x11310] =	vst v63  }
0xc5: {  	[hbm4b:s11+s3] =	stream.linear.scatter [tilespmem:s17], [sflag:$0x5], $0x6400, $0x38;
	[tilespmem:$0x1A900] =	vst v63  }
0xc6: {  	_ =	swait.ge [sflag:s22], $0x6400  }
0xc7: {  	[sflag:s22] =	ssyncset.done $0x0  }
0xc8: {  	s28 =	sadd.s32 $0x1, s28;
	[sflag:s22] =	ssyncadd.s32 $0xFFFF9C00  }
0xc9: {  	p0 =	sne.s32 s28, s12;
	_ =	swait.ge [sflag:s24], $0x6400  }
.Ltmp7:
0xca: {  	[sflag:s24] =	ssyncset.done $0x0;
	(pc) =	sbr.rel @p0 .LBB2_1-.Ltmp7, $4  }
0xcb: {  	[sflag:s24] =	ssyncadd.s32 $0xFFFF9C00  }
0xcc: {  	_ =	swait.ge [sflag:s26], $0x6400  }
0xcd: {  	[sflag:s26] =	ssyncset.done $0x0  }
0xce: {  	[sflag:s26] =	ssyncadd.s32 $0xFFFF9C00  }
0xcf: {  	_ =	sfence.sel $0x180000  }
0xd0: {  	[bflag:$0x0] =	sbarrier.arrive $0xFFFF  }
0xd1: {  	_ =	strace $0x90000047  }
0xd2: {  	s0 =	stileid.u32;
	[bflag:$0x2] =	sbarrier.arrive $0xFFFF  }
0xd3: {  	p0 =	sne.s32 s0, $0x0;
	s0 =	rddreg [dreg:$0x2]  }
0xd4: {  	s0 =	sadd.s32 @!p0 $0x100000, s0  }
0xd5: {  	[sflag:s0] =	ssyncadd.tile.s32 @!p0 $0x1;
	_ =	shalt  }
.Lfunc_end2:
_tile_overlayer_lowered:
.L_overlay_start_2:
0xd6: {  	(tag) =	ssettag $0x2  }
0xd7: {  	s0 =	rddreg [dreg:$0x0];
	s2 =	stileid.u32  }
0xd8: {  	s1 =	rddreg [dreg:$0x1];
	p0 =	sne.s32 s2, $0x0  }
0xd9: {  	s3 =	rddreg [dreg:$0x2];
	[bflag:$0x3] =	sbarrier.arrive $0xFFFF;
	s2 =	simm.s32 @!p0 $0x1C08  }
0xda: {  	[timem:s3], [sflag:s2] =	dma.local @!p0 [hbm:s0], s1  }
0xdb: {  	s0 =	simm.s32 @!p0 $0x8  }
0xdc: {  	_ =	swait.ge @!p0 [sflag:s0], s1  }
0xdd: {  	s1 =	ssub.s32 @!p0 $0x0, s1;
	[sflag:s0] =	ssyncset.done @!p0 $0x0  }
0xde: {  	[sflag:s0] =	ssyncadd.s32 @!p0 s1  }
0xdf: {  	[bflag:$0x3] =	sbarrier.arrive $0xFFFF  }
0xe0: {  	_ =	shalt  }

// kernel: sparse-core-data-format-call.cloned.1.call-start
scs
called_computation_lowered:
.L_overlay_start_0:
0x0: {  	s2 =	sld [smem:$0x3FD9]  }
0x1: {  	s3 =	sld [smem:$0x3FFE];
	_ =	sdelay $0x1  }
0x2: {  	s1 =	srdreg.scid  }
0x3: {  	s0 =	sand.u32 $0x1, s1  }
0x4: {  	s18 =	sshll.u32 s0, $0xA;
	s2 =	sadd.s32 s3, s2  }
0x5: {  	s2 =	sadd.s32 s2, s18  }
0x6: {  	[smem:$0x3FC5] =	sst s2  }
0x7: {  	_ = 	snop  }
0x8: {  	s2 =	sld [smem:$0x3FD0];
	(tm) =	ssettm $0x1  }
0x9: {  	s19 =	sld [smem:$0x3FFB];
	_ =	sdelay $0x3  }
0xa: {  	_ =	strace s19  }
0xb: {  	s3 =	sld [smem:$0x3FFC];
	_ =	sdelay $0x3  }
0xc: {  	_ =	strace s3  }
0xd: {  	s3 =	sld [smem:$0x3FFD];
	_ =	sdelay $0x3  }
0xe: {  	_ =	strace s3  }
0xf: {  	_ =	strace $0x8FFFFFFF  }
0x10: {  	s20 =	sld [smem:$0x3FDB];
	_ =	sdelay $0x1  }
0x11: {  	s4 =	simm.s32 $_scs_section_size  }
0x12: {  	s5 =	simm.s32 $_size__tile_overlayer_lowered;
	s6 =	simm.s32 $_tile_overlayer_lowered  }
0x13: {  	s23 =	simm.s32 $0x1BFF;
	s22 =	sshll.u32 s6, $0x1;
	s3 =	sadd.s32 s4, s20  }
0x14: {  	s7 =	simm.s32 $0x0;
	s21 =	sshll.u32 s5, $0x1;
	s5 =	sadd.s32 s22, s3  }
0x15: {  	[timem:s7], [sflag:s23] =	dma.local [hbm:s5], s21  }
0x16: {  	_ =	swait.ge [sflag:s23], s21  }
0x17: {  	s4 =	ssub.s32 $0x0, s21;
	[sflag:s23] =	ssyncset.done $0x0  }
0x18: {  	[sflag:s23] =	ssyncadd.s32 s4;
	_ =	sdelay $0x1  }
0x19: {  	s24 =	simm.s32 $0x1B8B  }
0x1a: {  	_ =	swait.ge [sflag:s24], $0x1  }
0x1b: {  	[sflag:s24] =	ssyncset.done $0x0  }
0x1c: {  	s26 =	simm.s32 $0x1B8E;
	s25 =	sld [smem:$0x3FFE];
	[sflag:s24] =	ssyncadd.s32 $0xFFFFFFFF  }
0x1d: {  	s27 =	simm.s32 $execute0_lowered;
	[smem:$0x3FD2] =	sst s26  }
0x1e: {  	s5 =	sshll.u32 s27, $0x1;
	_ =	strace $0x80000049;
	[dreg:$0x1] =	wrdreg $0xFFFFFFFF  }
0x1f: {  	s28 =	simm.s32 $_size_execute0_lowered;
	s3 =	sadd.s32 s3, s5;
	[dreg:$0x0] =	wrdreg $0x0  }
0x20: {  	s5 =	sshll.u32 s28, $0x1;
	[dreg:$0x2] =	wrdreg s3  }
0x21: {  	[dreg:$0x3] =	wrdreg s5  }
0x22: {  	[dreg:$0x4] =	wrdreg $0xC0  }
0x23: {  	_ =	task [dreg:s7], $0x5FFFF  }
0x24: {  	[dreg:$0x1] =	wrdreg $0xFFFFFFFF  }
0x25: {  	[dreg:$0x0] =	wrdreg $0x60  }
0x26: {  	[dreg:$0x2] =	wrdreg s25  }
0x27: {  	[dreg:$0x3] =	wrdreg s2  }
0x28: {  	[dreg:$0x4] =	wrdreg $0x9  }
0x29: {  	_ =	task.clear_ibuf [dreg:s7], $0x5FFFF;
	_ =	strace $0x90000049  }
0x2a: {  	s29 =	simm.s32 $0x9;
	_ =	strace $0x8000004B  }
0x2b: {  	_ =	swait.ge [sflag:s29], $0x1  }
0x2c: {  	[sflag:s29] =	ssyncadd.s32 $0xFFFFFFFF  }
0x2d: {  	_ =	strace $0x9000004B  }
0x2e: {  	_ =	sfence  }
0x2f: {  	s30 =	sld [smem:$0x0];
	_ =	sdelay $0x2  }
0x30: {  	s31 =	sshll.u32 s1, $0xD;
	s1 =	sshrl.u32 s1, $0x2  }
0x31: {  	s3 =	sand.u32 $0x4000, s31;
	s1 =	sadd.s32 s1, s30  }
0x32: {  	s0 =	sor.u32 s3, s0;
	s1 =	sshll.u32 s1, $0x11  }
0x33: {  	s0 =	sor.u32 s1, s0  }
0x34: {  	s0 =	sadd.s32 $0x8F2B, s0  }
0x35: {  	[sflag:s0] =	ssyncadd.remote.s32 $0x1  }
0x36: {  	_ =	sfence.sel $0xFFFF  }
0x37: {  	[dreg:$0x0] =	wrdreg $0xFFFFFFFF;
	(pc) =	sbr.abs _section_cstart, $3  }
0x38: {  	[dreg:$0x1] =	wrdreg $0xFFFFFFFF  }
0x39: {  	_ =	task.clear_ibuf [dreg:s7], $0x2FFFF;
	_ =	strace $0x9FFFFFFF  }
0x3a: {  	(tm) =	ssettm $0x7FFFFFFF  }
0x3b: {  	_ =	shalt  }
tec
execute0_lowered:
.L_overlay_start_1:
0x0: {  	(tag) =	ssettag $0x1  }
0x1: {  	s0 =	srdreg.scid  }
0x2: {  	s1 =	sshll.u32 s0, $0x4  }
0x3: {  	s0 =	stileid.u32;
	s1 =	sand.u32 $0x10, s1  }
0x4: {  	s1 =	sor.u32 s0, s1  }
0x5: {  	s6 =	rddreg [dreg:$0x0];
	s4 =	simm.s32 $0x1;
	s2 =	sshll.u32 s1, $0x7  }
0x6: {  	s7 =	simm.s32 $0x2;
	s12 =	simm.s32 $0x0;
	s1 =	ssub.s32 $0x1000, s2  }
0x7: {  	s8 =	simm.s32 $0x8000;
	s13 =	simm.s32 $0x0;
	s3 =	sand.u32 $0xF80, s1  }
0x8: {  	s9 =	simm.s32 $0x0;
	s5 =	sshrl.u32 s1, $0xC;
	p0 =	sne.s32 s3, $0x0  }
.Ltmp0:
0x9: {  	s1 =	rddreg [dreg:$0x2];
	s4 =	simm.s32 @!p0 $0x0;
	(pc) =	sbr.rel .LBB1_1-.Ltmp0, $4  }
0xa: {  	s11 =	simm.s32 $0x0;
	s3 =	rddreg [dreg:$0x1];
	s5 =	sadd.s32 s4, s5  }
0xb: {  	_ =	strace $0x8000004A;
	s4 =	simm.s32 $0x1;
	s5 =	smul.u32 $0xC8, s5  }
0xc: {  	s6 =	sadd.s32 $0xC00, s6;
	s10 =	smov.u32 s2;
	[sflag:s4] =	ssyncpa.u1 $0x0  }
0xd: {  	p0 =	por $0x0, $0x0;
	[sflag:s7] =	ssyncpa.u1 $0x0;
	s7 =	sor.u32 $0x1, s5  }
.LBB1_4:
0xe: {  	s16 =	sshll.u32 s13, $0x3;
	s17 =	sand.u32 $0x78, s13  }
0xf: {  	s30 =	sand.u32 $0x3E00, s13;
	s12 =	sshll.u32 s12, $0xE;
	s16 =	sand.u32 $0xC00, s16  }
0x10: {  	s31 =	sand.u32 $0x7, s13;
	s16 =	sor.u32 s17, s16;
	s17 =	sadd.s32 s3, s30  }
0x11: {  	s13 =	sshll.u32 s31, $0x12;
	s16 =	sshrl.u32 s16, $0x3;
	s12 =	sadd.s32 s12, s17  }
0x12: {  	[tilespmem:s15+$0x0 ss:$0x81] =	vst.msk $0xffff, v0;
	s13 =	sor.u32 $0x400, s13;
	s12 =	sadd.s32 s16, s12  }
0x13: {  	[hbm4b:s12+s13] =	stream.strided.scatter [tilespmem:s14], [sflag:$0x2], $0x1000, s8, s13, $0x20;
	[tilespmem:$0x4040] =	vst v63  }
.LBB1_5:
0x14: {  	s14 =	sadd.s32 $0x1, s9  }
0x15: {  	s12 =	sadd.s32 $0x1000, s10;
	s16 =	smov.u32 s10;
	p2 =	sgt.s32 s14, $0xC7  }
0x16: {  	s16 =	smov.u32 @p2 s12  }
0x17: {  	s14 =	simm.s32 @p2 $0x0;
	p2 =	sgt.s32 s16, $0xFFF  }
0x18: {  	s16 =	smov.u32 @p2 s2;
	p2 =	sne.s32 s11, s7  }
.Ltmp1:
0x19: {  	p1 =	slt.u32 s11, $0x2;
	(pc) =	sbr.rel @!p2 .LBB1_6-.Ltmp1, $4  }
0x1a: {  	s15 =	simm.s32 @!p1 $0x2  }
0x1b: {  	s13 =	smov.u32 s10;
	p0 =	por !p0, !p0;
	_ =	swait.ge @!p1 [sflag:s15], $0x1000  }
0x1c: {  	s12 =	smov.u32 s9;
	[sflag:s15] =	ssyncset.done @!p1 $0x0;
	s9 =	smov.u32 s14  }
0x1d: {  	s11 =	sadd.s32 $0x1, s11;
	[sflag:s15] =	ssyncadd.s32 @!p1 $0xFFFFF000;
	s10 =	smov.u32 s16  }
.LBB1_1:
0x1e: {  	p1 =	sge.u32 s11, s5  }
0x1f: {  	s14 =	sand.u32 @!p1 $0x1FFFFFF, s9  }
0x20: {  	s15 =	smulhi.u32 @!p1 $0x147AE15, s14;
	_ =	sdelay $0x1  }
0x21: {  	s15 =	smul.u32 @!p1 $0xC8, s15  }
0x22: {  	s16 =	sxor.u32 @!p1 $0xFFFFFFFF, s11;
	s17 =	smul.u32 @!p1 $0xC80, s10  }
0x23: {  	s31 =	sadd.s32 $0xFFFFFFFF, s11;
	s16 =	sshll.u32 @!p1 s16, $0xC;
	s14 =	ssub.s32 @!p1 s14, s15  }
0x24: {  	s15 =	sand.u32 @!p1 $0x1000, s16;
	s16 =	sadd.s32 @!p1 s6, s17;
	s14 =	sshll.u32 @!p1 s14, $0x4  }
0x25: {  	s17 =	simm.s32 @!p1 $0x6400;
	s14 =	sadd.s32 @!p1 s14, s16;
	s16 =	simm.s32 @!p1 $0x20  }
0x26: {  	[tilespmem:s15], [sflag:$0x1] =	stream.strided.gather @!p1 [hbm4b:s14+s16], $0x1000, s17, s16, $0x38;
	[tilespmem:$0x4040] =	vst v63  }
0x27: {  	p1 =	sge.u32 s31, s5  }
.Ltmp2:
0x28: {  	_ = 	snop;
	(pc) =	sbr.rel @p1 .LBB1_5-.Ltmp2, $1  }
0x29: {  	_ =	sdelay $0x3  }
0x2a: {  	s14 =	simm.s32 $0x1  }
0x2b: {  	_ =	swait.ge [sflag:s4], $0x1000;
	s14 =	simm.s32 @!p0 $0x0  }
0x2c: {  	[sflag:s4] =	ssyncset.done $0x0;
	s15 =	sshll.u32 s14, $0xC  }
0x2d: {  	[sflag:s4] =	ssyncadd.s32 $0xFFFFF000;
	s18 =	sor.u32 $0x10, s15  }
0x2e: {  	s14 =	smul.u32 $0x4080, s14;
	v1 =	vld [tilespmem:s18+$0x0]  }
0x2f: {  	s30 =	sand.u32 $0x1, s11;
	v0 =	vld [tilespmem:s18+$0xFFFFFFF0]  }
0x30: {  	s15 =	smul.u32 $0x4080, s30;
	s14 =	sshrl.u32 s14, $0x2  }
0x31: {  	s16 =	sor.u32 $0x2000, s14  }
0x32: {  	s31 =	sshrl.u32 s15, $0x2;
	s15 =	sadd.s32 $0x0, s16  }
0x33: {  	s17 =	simm.s32 $0x4;
	s18 =	sadd.s32 $0x20, s18;
	s14 =	sor.u32 $0x2000, s31;
	[tilespmem:s15+$0x810 ss:$0x81] =	vst.msk $0xffff, v1  }
.LBB1_3:
0x34: {  	v1 =	vld [tilespmem:s18+$0x0];
	p1 =	sne.s32 s17, $0x1FC;
	[tilespmem:s15+$0x0 ss:$0x81] =	vst.msk $0xffff, v0;
	s15 =	smov.u32 s17;
	s17 =	sadd.s32 $0x4, s17  }
.Ltmp3:
0x35: {  	v0 =	vld [tilespmem:s18+$0xFFFFFFF0];
	(pc) =	sbr.rel @p1 .LBB1_3-.Ltmp3, $4  }
0x36: {  	_ = 	snop  }
0x37: {  	s15 =	sshra.s32 s15, $0x2  }
0x38: {  	s15 =	sadd.s32 s15, s16  }
0x39: {  	s18 =	sadd.s32 $0x20, s18;
	[tilespmem:s15+$0x810 ss:$0x81] =	vst.msk $0xffff, v1  }
.Ltmp4:
0x3a: {  	_ = 	snop;
	(pc) =	sbr.rel .LBB1_4-.Ltmp4, $1  }
0x3b: {  	_ =	sdelay $0x3  }
.LBB1_6:
0x3c: {  	_ =	sfence.sel $0x180000  }
0x3d: {  	s2 =	simm.s32 $0x1;
	[bflag:$0x0] =	sbarrier.arrive $0xFFFF  }
0x3e: {  	s31 =	simm.s32 $0x2;
	[sflag:s2] =	ssyncpa.u1 $0x1  }
0x3f: {  	[sflag:s31] =	ssyncpa.u1 $0x1  }
0x40: {  	p0 =	sne.s32 s0, $0x0;
	_ =	strace $0x9000004A  }
0x41: {  	s0 =	sadd.s32 @!p0 $0x100000, s1;
	[bflag:$0x2] =	sbarrier.arrive $0xFFFF  }
0x42: {  	[sflag:s0] =	ssyncadd.tile.s32 @!p0 $0x1;
	_ =	shalt  }
.Lfunc_end1:
_tile_overlayer_lowered:
.L_overlay_start_2:
0x43: {  	(tag) =	ssettag $0x2  }
0x44: {  	s0 =	rddreg [dreg:$0x0];
	s2 =	stileid.u32  }
0x45: {  	s1 =	rddreg [dreg:$0x1];
	p0 =	sne.s32 s2, $0x0  }
0x46: {  	s3 =	rddreg [dreg:$0x2];
	[bflag:$0x3] =	sbarrier.arrive $0xFFFF;
	s2 =	simm.s32 @!p0 $0x1C01  }
0x47: {  	[timem:s3], [sflag:s2] =	dma.local @!p0 [hbm:s0], s1  }
0x48: {  	s0 =	simm.s32 @!p0 $0x1  }
0x49: {  	_ =	swait.ge @!p0 [sflag:s0], s1  }
0x4a: {  	s1 =	ssub.s32 @!p0 $0x0, s1;
	[sflag:s0] =	ssyncset.done @!p0 $0x0  }
0x4b: {  	[sflag:s0] =	ssyncadd.s32 @!p0 s1  }
0x4c: {  	[bflag:$0x3] =	sbarrier.arrive $0xFFFF  }
0x4d: {  	_ =	shalt  }

</sc_bundles>
